<compile_context>
chip_gen: v7x
topology: tpu7x:2x2x1
jax: 0.10.2.dev20260603
libtpu: 0.0.44.dev20260713+nightly
codegen_flags: <defaults>
</compile_context>

<pallas_src>
import jax
import jax.numpy as jnp
from jax import lax
from jax.experimental import pallas as pl
from jax.experimental.pallas import tpu as pltpu
from jax.experimental.pallas import tpu_sc as plsc

B, P = 4, 2048
N = B * P
SHAPE = 256
GEO = 4
E = 8
LAT = 1024
K = 512
NBLK = (N + E * (K - 1) + K - 1) // K
NPAD = NBLK * K
TW = 384

NEG = -3e38

NW = 32
RPW = N // NW
NCH = 2
CH = RPW // NCH


def _sc_scatter_body(cg_hbm, dest_hbm, out_hbm, idx_v, rows_v, sem_i, sem_o):
    wid = lax.axis_index("s") * 2 + lax.axis_index("c")
    pltpu.sync_copy(dest_hbm.at[wid], idx_v)
    loads = [pltpu.async_copy(cg_hbm.at[pl.ds(wid * RPW + j * CH, CH)],
                              rows_v.at[j], sem_i)
             for j in range(NCH)]
    stores = []
    for j in range(NCH):
        loads[j].wait()
        stores.append(
            pltpu.async_copy(rows_v.at[j], out_hbm.at[idx_v.at[j]], sem_o))
    for c in stores:
        c.wait()


def _sc_scatter(cg, dest3):
    mesh = plsc.VectorSubcoreMesh(core_axis_name="c", subcore_axis_name="s")
    return pl.kernel(
        _sc_scatter_body,
        mesh=mesh,
        out_type=jax.ShapeDtypeStruct((NPAD, TW), jnp.float32),
        scratch_types=[
            pltpu.VMEM((NCH, CH), jnp.int32),
            pltpu.VMEM((NCH, CH, TW), jnp.float32),
            pltpu.SemaphoreType.DMA,
            pltpu.SemaphoreType.DMA,
        ],
    )(cg, dest3)


def _tc_body(be_ref, st_ref, en_ref, ts_ref,
             W1_ref, b12_ref, W2_ref, W3C1_ref, b3C1_ref,
             C1g_ref, C2_ref, CB2_ref, C3_ref, CB3_ref,
             out_ref):
    i = pl.program_id(0)
    e = be_ref[i]
    bf16, f32 = jnp.bfloat16, jnp.float32

    @pl.when(i == 0)
    def _():
        out_ref[...] = jnp.full((B, LAT), NEG, dtype=jnp.float32)

    used = ((en_ref[i, 0] > st_ref[i, 0]) | (en_ref[i, 1] > st_ref[i, 1])
            | (en_ref[i, 2] > st_ref[i, 2]) | (en_ref[i, 3] > st_ref[i, 3]))

    @pl.when(used)
    def _():
        codes = ts_ref[:, :SHAPE].astype(bf16)
        bg = ts_ref[:, SHAPE:].astype(bf16)

        h = jnp.dot(codes, W1_ref[e],
                    preferred_element_type=f32) + b12_ref[e, :1]
        h = jnp.maximum(h, 0.0).astype(bf16)
        h = jnp.dot(h, W2_ref[e], preferred_element_type=f32) + b12_ref[e, 1:]
        h = jnp.maximum(h, 0.0).astype(bf16)

        t = (jnp.dot(h, W3C1_ref[e], preferred_element_type=f32)
             + jnp.dot(bg, C1g_ref[...], preferred_element_type=f32)
             + b3C1_ref[e])
        t = jnp.maximum(t, 0.0).astype(bf16)
        t = jnp.dot(t, C2_ref[...], preferred_element_type=f32) + CB2_ref[...]
        t = jnp.maximum(t, 0.0).astype(bf16)
        t = jnp.dot(t, C3_ref[...], preferred_element_type=f32) + CB3_ref[...]

        iota = lax.broadcasted_iota(jnp.int32, (K, 1), 0)
        mx = [jnp.max(jnp.where((iota >= st_ref[i, b])
                                & (iota < en_ref[i, b]), t, NEG), axis=0)
              for b in range(B)]
        res = jnp.stack(mx)
        out_ref[...] = jnp.maximum(out_ref[...], res)


def _tc_call(be, st, en, ts, W1, b12, W2, W3C1, b3C1, C1g, C2, CB2, C3, CB3):
    full = lambda *shape: pl.BlockSpec(shape, lambda i, be, st, en:
                                       (0,) * len(shape))
    grid_spec = pltpu.PrefetchScalarGridSpec(
        num_scalar_prefetch=3,
        grid=(NBLK,),
        in_specs=[
            pl.BlockSpec((K, TW), lambda i, be, st, en: (i, 0)),
            full(E, SHAPE, 512),
            full(E, 2, 512),
            full(E, 512, 512),
            full(E, 512, 512),
            full(E, 1, 512),
            full(TW - SHAPE, 512),
            full(512, 1024),
            full(1, 1024),
            full(1024, LAT),
            full(1, LAT),
        ],
        out_specs=pl.BlockSpec((B, LAT), lambda i, be, st, en: (0, 0)),
    )
    return pl.pallas_call(
        _tc_body,
        grid_spec=grid_spec,
        out_shape=jax.ShapeDtypeStruct((B, LAT), jnp.float32),
    )(be, st, en, ts, W1, b12, W2, W3C1, b3C1, C1g, C2, CB2, C3, CB3)


def kernel(x, cats, W1, b1, W2, b2, W3, b3, CW1, CB1, CW2, CB2, CW3, CB3):
    cg = jnp.concatenate(
        [jnp.transpose(x[:, GEO:, :], (0, 2, 1)).reshape(N, SHAPE),
         jnp.transpose(x[:, :GEO, :], (0, 2, 1)).reshape(N, GEO),
         jnp.zeros((N, TW - SHAPE - GEO), jnp.float32)], axis=1)

    cf = cats.reshape(-1).astype(jnp.int32)
    ohf = (cf[:, None] == jnp.arange(E, dtype=jnp.int32)).astype(jnp.float32)
    CB = 128
    oh3 = ohf.reshape(N // CB, CB, E)
    tril = jnp.tril(jnp.ones((CB, CB), jnp.float32), k=-1)
    intra = jnp.einsum('lk,bke->ble', tril, oh3)
    tot = jnp.sum(oh3, axis=1)
    pref = jnp.cumsum(tot, axis=0) - tot
    rankf = jnp.sum((intra + pref[:, None, :]) * oh3,
                    axis=2).reshape(N)
    counts = jnp.sum(tot, axis=0).astype(jnp.int32)
    padded = ((counts + K - 1) // K) * K
    ends = jnp.cumsum(padded)
    off = ends - padded
    offf = off.astype(jnp.float32)
    dest = (jnp.sum(ohf * offf[None, :], axis=1)
            + rankf).astype(jnp.int32)

    ceb = jnp.sum(tot.reshape(B, P // CB, E), axis=1).astype(jnp.int32)
    seb = jnp.cumsum(ceb, axis=0) - ceb

    bstart = jnp.arange(NBLK, dtype=jnp.int32) * K
    be = jnp.minimum(
        jnp.sum((bstart[:, None] >= ends[None, :]).astype(jnp.int32), axis=1),
        E - 1).astype(jnp.int32)
    beoh = (be[:, None] == jnp.arange(E, dtype=jnp.int32)).astype(jnp.int32)
    r0 = bstart - jnp.sum(beoh * off[None, :], axis=1)
    s_sel = jnp.sum(beoh[:, None, :] * seb[None, :, :], axis=2)
    c_sel = jnp.sum(beoh[:, None, :] * ceb[None, :, :], axis=2)
    st = jnp.clip(s_sel - r0[:, None], 0, K).astype(jnp.int32)
    en = jnp.clip(s_sel + c_sel - r0[:, None], 0, K).astype(jnp.int32)

    ts = _sc_scatter(cg, dest.reshape(NW, NCH, CH))

    bf16 = jnp.bfloat16
    C1e = CW1[GEO:]
    W3C1 = jnp.einsum('eij,jk->eik', W3, C1e)
    b3C1 = (b3 @ C1e + CB1[None, :]).reshape(E, 1, 512)
    C1g = jnp.concatenate(
        [CW1[:GEO], jnp.zeros((TW - SHAPE - GEO, 512), jnp.float32)], axis=0)
    b12 = jnp.stack([b1, b2], axis=1)
    out = _tc_call(
        be, st, en, ts,
        W1.astype(bf16), b12, W2.astype(bf16),
        W3C1.astype(bf16), b3C1,
        C1g.astype(bf16), CW2.astype(bf16), CB2.reshape(1, 1024),
        CW3.astype(bf16), CB3.reshape(1, LAT))
    return out

# --- scband reference (transcript-rebuilt; emitter-appended) ---
"""Pipeline reference for scband-point-net-encoder-455266533580 (READ-ONLY COPY).

The authoritative reference and input builder live on the scoring server;
editing this copy changes nothing except your own understanding.
"""

import jax, jax.numpy as jnp
import numpy as np

# globals mirroring the torch module's module-level config:
# point_size=259, shape_size=256 -> geo channels = point_size+1-shape_size = 4
# shape_code_encoder_hidden_dims=[512,512], shape_code_encoder_output_size=256
# encoder_hidden_dims=[512,1024], latent_size=1024, num_categories=8
B, P = 4, 2048
SHAPE = 256
GEO = 4
E = 8
LAT = 1024

def setup_inputs(seed: int = 0) -> dict:
    key = jax.random.key(seed)
    ks = jax.random.split(key, 16)
    s = 0.05
    inp = {}
    inp['x'] = jax.random.normal(ks[0], (B, GEO + SHAPE, P), dtype=jnp.float32)
    inp['cats'] = jax.random.randint(ks[1], (B, P), 0, E, dtype=jnp.int32)
    # per-expert ShapeCodeEncoder params, stacked over experts: 256->512->512->256
    inp['W1'] = jax.random.normal(ks[2], (E, SHAPE, 512), dtype=jnp.float32) * s
    inp['b1'] = jnp.zeros((E, 512), dtype=jnp.float32)
    inp['W2'] = jax.random.normal(ks[3], (E, 512, 512), dtype=jnp.float32) * s
    inp['b2'] = jnp.zeros((E, 512), dtype=jnp.float32)
    inp['W3'] = jax.random.normal(ks[4], (E, 512, SHAPE), dtype=jnp.float32) * s
    inp['b3'] = jnp.zeros((E, SHAPE), dtype=jnp.float32)
    # trunk conv1d (kernel=1) params: 260->512->1024->1024
    inp['CW1'] = jax.random.normal(ks[5], (GEO + SHAPE, 512), dtype=jnp.float32) * s
    inp['CB1'] = jnp.zeros((512,), dtype=jnp.float32)
    inp['CW2'] = jax.random.normal(ks[6], (512, 1024), dtype=jnp.float32) * s
    inp['CB2'] = jnp.zeros((1024,), dtype=jnp.float32)
    inp['CW3'] = jax.random.normal(ks[7], (1024, LAT), dtype=jnp.float32) * s
    inp['CB3'] = jnp.zeros((LAT,), dtype=jnp.float32)
    return inp

def reference(x, cats, W1, b1, W2, b2, W3, b3, CW1, CB1, CW2, CB2, CW3, CB3):
    b_size, C, n_pts = x.shape
    geo = x[:, :GEO, :]                                   # [B, 4, P]
    codes = jnp.transpose(x[:, -SHAPE:, :], (0, 2, 1)).reshape(-1, SHAPE)  # [B*P, 256]
    cf = cats.reshape(-1)                                 # [B*P]
    enc = jnp.zeros((codes.shape[0], SHAPE), dtype=x.dtype)
    for e in range(E):
        h = jax.nn.relu(codes @ W1[e] + b1[e])
        h = jax.nn.relu(h @ W2[e] + b2[e])
        y = h @ W3[e] + b3[e]
        enc = enc + jnp.where((cf == e)[:, None], y, jnp.zeros_like(y))
    enc_c = jnp.transpose(enc.reshape(b_size, n_pts, SHAPE), (0, 2, 1))  # [B, 256, P]
    xi = jnp.concatenate([geo, enc_c], axis=1)            # [B, 260, P]
    t = jnp.transpose(xi, (0, 2, 1))                      # [B, P, 260]
    t = jax.nn.relu(t @ CW1 + CB1)
    t = jax.nn.relu(t @ CW2 + CB2)
    t = t @ CW3 + CB3                                     # [B, P, LAT]
    out = jnp.max(t, axis=1)                              # [B, LAT] (max over points)
    return out.reshape(-1, LAT)

if __name__ == "__main__":
    import jax
    _d = setup_inputs()
    print(jax.jit(kernel)(*tuple(_d.values())))

</pallas_src>

<mosaic_0001>
#map = affine_map<(d0, d1) -> (0, 0)>
#map1 = affine_map<(d0, d1) -> (0, 0, 0)>
module attributes {stable_mosaic.version = 14 : i64} {
  func.func @_sc_scatter_body(%arg0: i32, %arg1: i32, %arg2: memref<8192x384xf32, #tpu.memory_space<hbm>>, %arg3: memref<32x2x128xi32, #tpu.memory_space<hbm>>, %arg4: memref<12288x384xf32, #tpu.memory_space<hbm>>, %arg5: memref<2x128xi32, #tpu.memory_space<vmem>>, %arg6: memref<2x128x384xf32, #tpu.memory_space<vmem>>, %arg7: memref<!tpu.dma_semaphore, #tpu.memory_space<semaphore_mem>>, %arg8: memref<!tpu.dma_semaphore, #tpu.memory_space<semaphore_mem>>) attributes {dimension_semantics = [#tpu.dimension_semantics<core_parallel>, #tpu.dimension_semantics<subcore_parallel>], iteration_bounds = array<i64: 2, 16>, scalar_prefetch = 0 : i64, scratch_operands = 4 : i64, tpu.core_type = #tpu.core_type<sc_vector_subcore>, window_params = [{transform_indices = #map}, {transform_indices = #map1}, {transform_indices = #map}]} {
    %mul3A = arith.constant 2 : i32
    %mul3A_0 = arith.muli %arg1, %mul3A : i32
    %add3A = arith.addi %mul3A_0, %arg0 : i32
    "tpu.region"() ({
      %run_scoped3A = tpu.sem_alloc : memref<!tpu.dma_semaphore, #tpu.memory_space<semaphore_mem>>
      %dma_start3A_107 = arith.constant 0 : i32
      %dma_start3A_108 = arith.constant 0 : i32
      %dma_start3A_109 = tpu.memref_slice %arg3[%add3A, %dma_start3A_107, %dma_start3A_108] : memref<32x2x128xi32, #tpu.memory_space<hbm>> -> memref<1x2x128xi32, #tpu.memory_space<hbm>>
      %dma_start3A_110 = tpu.memref_squeeze %dma_start3A_109 : memref<1x2x128xi32, #tpu.memory_space<hbm>> -> memref<2x128xi32, #tpu.memory_space<hbm>>
      %dma_start3A_111 = arith.constant 0 : i32
      %dma_start3A_112 = arith.constant 0 : i32
      %dma_start3A_113 = tpu.memref_slice %arg3[%add3A, %dma_start3A_111, %dma_start3A_112] : memref<32x2x128xi32, #tpu.memory_space<hbm>> -> memref<1x2x128xi32, #tpu.memory_space<hbm>>
      %dma_start3A_114 = tpu.memref_squeeze %dma_start3A_113 : memref<1x2x128xi32, #tpu.memory_space<hbm>> -> memref<2x128xi32, #tpu.memory_space<hbm>>
      tpu.enqueue_dma source(%dma_start3A_114 : memref<2x128xi32, #tpu.memory_space<hbm>>) target(%arg5 : memref<2x128xi32, #tpu.memory_space<vmem>>) target_semaphore(%run_scoped3A : memref<!tpu.dma_semaphore, #tpu.memory_space<semaphore_mem>>)
      %dma_wait3A_115 = arith.constant 0 : i32
      %dma_wait3A_116 = arith.constant 0 : i32
      %dma_wait3A_117 = tpu.memref_slice %arg3[%add3A, %dma_wait3A_115, %dma_wait3A_116] : memref<32x2x128xi32, #tpu.memory_space<hbm>> -> memref<1x2x128xi32, #tpu.memory_space<hbm>>
      %dma_wait3A_118 = tpu.memref_squeeze %dma_wait3A_117 : memref<1x2x128xi32, #tpu.memory_space<hbm>> -> memref<2x128xi32, #tpu.memory_space<hbm>>
      %dma_wait3A_119 = arith.constant 0 : i32
      %dma_wait3A_120 = arith.constant 0 : i32
      %dma_wait3A_121 = tpu.memref_slice %arg3[%add3A, %dma_wait3A_119, %dma_wait3A_120] : memref<32x2x128xi32, #tpu.memory_space<hbm>> -> memref<1x2x128xi32, #tpu.memory_space<hbm>>
      %dma_wait3A_122 = tpu.memref_squeeze %dma_wait3A_121 : memref<1x2x128xi32, #tpu.memory_space<hbm>> -> memref<2x128xi32, #tpu.memory_space<hbm>>
      tpu.wait_dma2 semaphore(%run_scoped3A : memref<!tpu.dma_semaphore, #tpu.memory_space<semaphore_mem>>) src(%dma_wait3A_122 : memref<2x128xi32, #tpu.memory_space<hbm>>) dst(%arg5 : memref<2x128xi32, #tpu.memory_space<vmem>>)
      tpu.yield
    }) : () -> ()
    %mul3A_1 = arith.constant 256 : i32
    %mul3A_2 = arith.muli %add3A, %mul3A_1 : i32
    %add3A_3 = arith.constant 0 : i32
    %add3A_4 = arith.addi %mul3A_2, %add3A_3 : i32
    %dma_start3A = arith.constant 0 : i32
    %dma_start3A_5 = arith.constant 0 : i32
    %dma_start3A_6 = arith.constant 0 : i32
    %dma_start3A_7 = tpu.memref_slice %arg6[%dma_start3A, %dma_start3A_5, %dma_start3A_6] : memref<2x128x384xf32, #tpu.memory_space<vmem>> -> memref<1x128x384xf32, #tpu.memory_space<vmem>>
    %dma_start3A_8 = tpu.memref_squeeze %dma_start3A_7 : memref<1x128x384xf32, #tpu.memory_space<vmem>> -> memref<128x384xf32, #tpu.memory_space<vmem>>
    %dma_start3A_9 = arith.constant 0 : i32
    %dma_start3A_10 = tpu.memref_slice %arg2[%add3A_4, %dma_start3A_9] : memref<8192x384xf32, #tpu.memory_space<hbm>> -> memref<128x384xf32, #tpu.memory_space<hbm>>
    %dma_start3A_11 = arith.constant 0 : i32
    %dma_start3A_12 = arith.constant 0 : i32
    %dma_start3A_13 = tpu.memref_slice %arg6[%dma_start3A, %dma_start3A_11, %dma_start3A_12] : memref<2x128x384xf32, #tpu.memory_space<vmem>> -> memref<1x128x384xf32, #tpu.memory_space<vmem>>
    %dma_start3A_14 = tpu.memref_squeeze %dma_start3A_13 : memref<1x128x384xf32, #tpu.memory_space<vmem>> -> memref<128x384xf32, #tpu.memory_space<vmem>>
    %dma_start3A_15 = arith.constant 0 : i32
    %dma_start3A_16 = tpu.memref_slice %arg2[%add3A_4, %dma_start3A_15] : memref<8192x384xf32, #tpu.memory_space<hbm>> -> memref<128x384xf32, #tpu.memory_space<hbm>>
    tpu.enqueue_dma source(%dma_start3A_16 : memref<128x384xf32, #tpu.memory_space<hbm>>) target(%dma_start3A_14 : memref<128x384xf32, #tpu.memory_space<vmem>>) target_semaphore(%arg7 : memref<!tpu.dma_semaphore, #tpu.memory_space<semaphore_mem>>)
    %mul3A_17 = arith.constant 256 : i32
    %mul3A_18 = arith.muli %add3A, %mul3A_17 : i32
    %add3A_19 = arith.constant 128 : i32
    %add3A_20 = arith.addi %mul3A_18, %add3A_19 : i32
    %dma_start3A_21 = arith.constant 1 : i32
    %dma_start3A_22 = arith.constant 0 : i32
    %dma_start3A_23 = arith.constant 0 : i32
    %dma_start3A_24 = tpu.memref_slice %arg6[%dma_start3A_21, %dma_start3A_22, %dma_start3A_23] : memref<2x128x384xf32, #tpu.memory_space<vmem>> -> memref<1x128x384xf32, #tpu.memory_space<vmem>>
    %dma_start3A_25 = tpu.memref_squeeze %dma_start3A_24 : memref<1x128x384xf32, #tpu.memory_space<vmem>> -> memref<128x384xf32, #tpu.memory_space<vmem>>
    %dma_start3A_26 = arith.constant 0 : i32
    %dma_start3A_27 = tpu.memref_slice %arg2[%add3A_20, %dma_start3A_26] : memref<8192x384xf32, #tpu.memory_space<hbm>> -> memref<128x384xf32, #tpu.memory_space<hbm>>
    %dma_start3A_28 = arith.constant 0 : i32
    %dma_start3A_29 = arith.constant 0 : i32
    %dma_start3A_30 = tpu.memref_slice %arg6[%dma_start3A_21, %dma_start3A_28, %dma_start3A_29] : memref<2x128x384xf32, #tpu.memory_space<vmem>> -> memref<1x128x384xf32, #tpu.memory_space<vmem>>
    %dma_start3A_31 = tpu.memref_squeeze %dma_start3A_30 : memref<1x128x384xf32, #tpu.memory_space<vmem>> -> memref<128x384xf32, #tpu.memory_space<vmem>>
    %dma_start3A_32 = arith.constant 0 : i32
    %dma_start3A_33 = tpu.memref_slice %arg2[%add3A_20, %dma_start3A_32] : memref<8192x384xf32, #tpu.memory_space<hbm>> -> memref<128x384xf32, #tpu.memory_space<hbm>>
    tpu.enqueue_dma source(%dma_start3A_33 : memref<128x384xf32, #tpu.memory_space<hbm>>) target(%dma_start3A_31 : memref<128x384xf32, #tpu.memory_space<vmem>>) target_semaphore(%arg7 : memref<!tpu.dma_semaphore, #tpu.memory_space<semaphore_mem>>)
    %dma_wait3A = arith.constant 0 : i32
    %dma_wait3A_34 = arith.constant 0 : i32
    %dma_wait3A_35 = arith.constant 0 : i32
    %dma_wait3A_36 = tpu.memref_slice %arg6[%dma_wait3A, %dma_wait3A_34, %dma_wait3A_35] : memref<2x128x384xf32, #tpu.memory_space<vmem>> -> memref<1x128x384xf32, #tpu.memory_space<vmem>>
    %dma_wait3A_37 = tpu.memref_squeeze %dma_wait3A_36 : memref<1x128x384xf32, #tpu.memory_space<vmem>> -> memref<128x384xf32, #tpu.memory_space<vmem>>
    %dma_wait3A_38 = arith.constant 0 : i32
    %dma_wait3A_39 = tpu.memref_slice %arg2[%add3A_4, %dma_wait3A_38] : memref<8192x384xf32, #tpu.memory_space<hbm>> -> memref<128x384xf32, #tpu.memory_space<hbm>>
    %dma_wait3A_40 = arith.constant 0 : i32
    %dma_wait3A_41 = arith.constant 0 : i32
    %dma_wait3A_42 = tpu.memref_slice %arg6[%dma_wait3A, %dma_wait3A_40, %dma_wait3A_41] : memref<2x128x384xf32, #tpu.memory_space<vmem>> -> memref<1x128x384xf32, #tpu.memory_space<vmem>>
    %dma_wait3A_43 = tpu.memref_squeeze %dma_wait3A_42 : memref<1x128x384xf32, #tpu.memory_space<vmem>> -> memref<128x384xf32, #tpu.memory_space<vmem>>
    %dma_wait3A_44 = arith.constant 0 : i32
    %dma_wait3A_45 = tpu.memref_slice %arg2[%add3A_4, %dma_wait3A_44] : memref<8192x384xf32, #tpu.memory_space<hbm>> -> memref<128x384xf32, #tpu.memory_space<hbm>>
    tpu.wait_dma2 semaphore(%arg7 : memref<!tpu.dma_semaphore, #tpu.memory_space<semaphore_mem>>) src(%dma_wait3A_45 : memref<128x384xf32, #tpu.memory_space<hbm>>) dst(%dma_wait3A_43 : memref<128x384xf32, #tpu.memory_space<vmem>>)
    %dma_start3A_46 = arith.constant 0 : i32
    %dma_start3A_47 = arith.constant 0 : i32
    %dma_start3A_48 = arith.constant 0 : i32
    %dma_start3A_49 = arith.constant 0 : i32
    %dma_start3A_50 = tpu.memref_slice %arg6[%dma_start3A_46, %dma_start3A_48, %dma_start3A_49] : memref<2x128x384xf32, #tpu.memory_space<vmem>> -> memref<1x128x384xf32, #tpu.memory_space<vmem>>
    %dma_start3A_51 = tpu.memref_squeeze %dma_start3A_50 : memref<1x128x384xf32, #tpu.memory_space<vmem>> -> memref<128x384xf32, #tpu.memory_space<vmem>>
    %dma_start3A_52 = arith.constant 0 : i32
    %dma_start3A_53 = tpu.memref_slice %arg5[%dma_start3A_47, %dma_start3A_52] : memref<2x128xi32, #tpu.memory_space<vmem>> -> memref<1x128xi32, #tpu.memory_space<vmem>>
    %dma_start3A_54 = tpu.memref_squeeze %dma_start3A_53 : memref<1x128xi32, #tpu.memory_space<vmem>> -> memref<128xi32, #tpu.memory_space<vmem>>
    %dma_start3A_55 = arith.constant 0 : i32
    %dma_start3A_56 = arith.constant 0 : i32
    %dma_start3A_57 = tpu.memref_slice %arg4[%dma_start3A_55, %dma_start3A_56] : memref<12288x384xf32, #tpu.memory_space<hbm>> -> memref<12288x384xf32, #tpu.memory_space<hbm>>
    tpu.enqueue_indirect_dma source(%dma_start3A_51 : memref<128x384xf32, #tpu.memory_space<vmem>>) target(%dma_start3A_57 : memref<12288x384xf32, #tpu.memory_space<hbm>>) offsets(%dma_start3A_54 : memref<128xi32, #tpu.memory_space<vmem>>) semaphore(%arg8 : memref<!tpu.dma_semaphore, #tpu.memory_space<semaphore_mem>>)
    %dma_wait3A_58 = arith.constant 1 : i32
    %dma_wait3A_59 = arith.constant 0 : i32
    %dma_wait3A_60 = arith.constant 0 : i32
    %dma_wait3A_61 = tpu.memref_slice %arg6[%dma_wait3A_58, %dma_wait3A_59, %dma_wait3A_60] : memref<2x128x384xf32, #tpu.memory_space<vmem>> -> memref<1x128x384xf32, #tpu.memory_space<vmem>>
    %dma_wait3A_62 = tpu.memref_squeeze %dma_wait3A_61 : memref<1x128x384xf32, #tpu.memory_space<vmem>> -> memref<128x384xf32, #tpu.memory_space<vmem>>
    %dma_wait3A_63 = arith.constant 0 : i32
    %dma_wait3A_64 = tpu.memref_slice %arg2[%add3A_20, %dma_wait3A_63] : memref<8192x384xf32, #tpu.memory_space<hbm>> -> memref<128x384xf32, #tpu.memory_space<hbm>>
    %dma_wait3A_65 = arith.constant 0 : i32
    %dma_wait3A_66 = arith.constant 0 : i32
    %dma_wait3A_67 = tpu.memref_slice %arg6[%dma_wait3A_58, %dma_wait3A_65, %dma_wait3A_66] : memref<2x128x384xf32, #tpu.memory_space<vmem>> -> memref<1x128x384xf32, #tpu.memory_space<vmem>>
    %dma_wait3A_68 = tpu.memref_squeeze %dma_wait3A_67 : memref<1x128x384xf32, #tpu.memory_space<vmem>> -> memref<128x384xf32, #tpu.memory_space<vmem>>
    %dma_wait3A_69 = arith.constant 0 : i32
    %dma_wait3A_70 = tpu.memref_slice %arg2[%add3A_20, %dma_wait3A_69] : memref<8192x384xf32, #tpu.memory_space<hbm>> -> memref<128x384xf32, #tpu.memory_space<hbm>>
    tpu.wait_dma2 semaphore(%arg7 : memref<!tpu.dma_semaphore, #tpu.memory_space<semaphore_mem>>) src(%dma_wait3A_70 : memref<128x384xf32, #tpu.memory_space<hbm>>) dst(%dma_wait3A_68 : memref<128x384xf32, #tpu.memory_space<vmem>>)
    %dma_start3A_71 = arith.constant 1 : i32
    %dma_start3A_72 = arith.constant 1 : i32
    %dma_start3A_73 = arith.constant 0 : i32
    %dma_start3A_74 = arith.constant 0 : i32
    %dma_start3A_75 = tpu.memref_slice %arg6[%dma_start3A_71, %dma_start3A_73, %dma_start3A_74] : memref<2x128x384xf32, #tpu.memory_space<vmem>> -> memref<1x128x384xf32, #tpu.memory_space<vmem>>
    %dma_start3A_76 = tpu.memref_squeeze %dma_start3A_75 : memref<1x128x384xf32, #tpu.memory_space<vmem>> -> memref<128x384xf32, #tpu.memory_space<vmem>>
    %dma_start3A_77 = arith.constant 0 : i32
    %dma_start3A_78 = tpu.memref_slice %arg5[%dma_start3A_72, %dma_start3A_77] : memref<2x128xi32, #tpu.memory_space<vmem>> -> memref<1x128xi32, #tpu.memory_space<vmem>>
    %dma_start3A_79 = tpu.memref_squeeze %dma_start3A_78 : memref<1x128xi32, #tpu.memory_space<vmem>> -> memref<128xi32, #tpu.memory_space<vmem>>
    %dma_start3A_80 = arith.constant 0 : i32
    %dma_start3A_81 = arith.constant 0 : i32
    %dma_start3A_82 = tpu.memref_slice %arg4[%dma_start3A_80, %dma_start3A_81] : memref<12288x384xf32, #tpu.memory_space<hbm>> -> memref<12288x384xf32, #tpu.memory_space<hbm>>
    tpu.enqueue_indirect_dma source(%dma_start3A_76 : memref<128x384xf32, #tpu.memory_space<vmem>>) target(%dma_start3A_82 : memref<12288x384xf32, #tpu.memory_space<hbm>>) offsets(%dma_start3A_79 : memref<128xi32, #tpu.memory_space<vmem>>) semaphore(%arg8 : memref<!tpu.dma_semaphore, #tpu.memory_space<semaphore_mem>>)
    %dma_wait3A_83 = arith.constant 0 : i32
    %dma_wait3A_84 = arith.constant 0 : i32
    %dma_wait3A_85 = arith.constant 0 : i32
    %dma_wait3A_86 = arith.constant 0 : i32
    %dma_wait3A_87 = tpu.memref_slice %arg6[%dma_wait3A_83, %dma_wait3A_85, %dma_wait3A_86] : memref<2x128x384xf32, #tpu.memory_space<vmem>> -> memref<1x128x384xf32, #tpu.memory_space<vmem>>
    %dma_wait3A_88 = tpu.memref_squeeze %dma_wait3A_87 : memref<1x128x384xf32, #tpu.memory_space<vmem>> -> memref<128x384xf32, #tpu.memory_space<vmem>>
    %dma_wait3A_89 = arith.constant 0 : i32
    %dma_wait3A_90 = tpu.memref_slice %arg5[%dma_wait3A_84, %dma_wait3A_89] : memref<2x128xi32, #tpu.memory_space<vmem>> -> memref<1x128xi32, #tpu.memory_space<vmem>>
    %dma_wait3A_91 = tpu.memref_squeeze %dma_wait3A_90 : memref<1x128xi32, #tpu.memory_space<vmem>> -> memref<128xi32, #tpu.memory_space<vmem>>
    %dma_wait3A_92 = arith.constant 0 : i32
    %dma_wait3A_93 = arith.constant 0 : i32
    %dma_wait3A_94 = tpu.memref_slice %arg4[%dma_wait3A_92, %dma_wait3A_93] : memref<12288x384xf32, #tpu.memory_space<hbm>> -> memref<12288x384xf32, #tpu.memory_space<hbm>>
    tpu.wait_indirect_dma semaphore(%arg8 : memref<!tpu.dma_semaphore, #tpu.memory_space<semaphore_mem>>) src(%dma_wait3A_88 : memref<128x384xf32, #tpu.memory_space<vmem>>) dst(%dma_wait3A_94 : memref<12288x384xf32, #tpu.memory_space<hbm>>)
    %dma_wait3A_95 = arith.constant 1 : i32
    %dma_wait3A_96 = arith.constant 1 : i32
    %dma_wait3A_97 = arith.constant 0 : i32
    %dma_wait3A_98 = arith.constant 0 : i32
    %dma_wait3A_99 = tpu.memref_slice %arg6[%dma_wait3A_95, %dma_wait3A_97, %dma_wait3A_98] : memref<2x128x384xf32, #tpu.memory_space<vmem>> -> memref<1x128x384xf32, #tpu.memory_space<vmem>>
    %dma_wait3A_100 = tpu.memref_squeeze %dma_wait3A_99 : memref<1x128x384xf32, #tpu.memory_space<vmem>> -> memref<128x384xf32, #tpu.memory_space<vmem>>
    %dma_wait3A_101 = arith.constant 0 : i32
    %dma_wait3A_102 = tpu.memref_slice %arg5[%dma_wait3A_96, %dma_wait3A_101] : memref<2x128xi32, #tpu.memory_space<vmem>> -> memref<1x128xi32, #tpu.memory_space<vmem>>
    %dma_wait3A_103 = tpu.memref_squeeze %dma_wait3A_102 : memref<1x128xi32, #tpu.memory_space<vmem>> -> memref<128xi32, #tpu.memory_space<vmem>>
    %dma_wait3A_104 = arith.constant 0 : i32
    %dma_wait3A_105 = arith.constant 0 : i32
    %dma_wait3A_106 = tpu.memref_slice %arg4[%dma_wait3A_104, %dma_wait3A_105] : memref<12288x384xf32, #tpu.memory_space<hbm>> -> memref<12288x384xf32, #tpu.memory_space<hbm>>
    tpu.wait_indirect_dma semaphore(%arg8 : memref<!tpu.dma_semaphore, #tpu.memory_space<semaphore_mem>>) src(%dma_wait3A_100 : memref<128x384xf32, #tpu.memory_space<vmem>>) dst(%dma_wait3A_106 : memref<12288x384xf32, #tpu.memory_space<hbm>>)
    return
  }
}

module attributes {stable_mosaic.version = 14 : i64} {
  func.func @_tc_body(%arg0: i32, %arg1: memref<24xi32, #tpu.memory_space<smem>>, %arg2: memref<24x4xi32, #tpu.memory_space<smem>>, %arg3: memref<24x4xi32, #tpu.memory_space<smem>>, %arg4: memref<512x384xf32, #tpu.memory_space<vmem>>, %arg5: memref<8x256x512xbf16, #tpu.memory_space<vmem>>, %arg6: memref<8x2x512xf32, #tpu.memory_space<vmem>>, %arg7: memref<8x512x512xbf16, #tpu.memory_space<vmem>>, %arg8: memref<8x512x512xbf16, #tpu.memory_space<vmem>>, %arg9: memref<8x1x512xf32, #tpu.memory_space<vmem>>, %arg10: memref<128x512xbf16, #tpu.memory_space<vmem>>, %arg11: memref<512x1024xbf16, #tpu.memory_space<vmem>>, %arg12: memref<1x1024xf32, #tpu.memory_space<vmem>>, %arg13: memref<1024x1024xbf16, #tpu.memory_space<vmem>>, %arg14: memref<1x1024xf32, #tpu.memory_space<vmem>>, %arg15: memref<4x1024xf32, #tpu.memory_space<vmem>>) attributes {dimension_semantics = [#tpu.dimension_semantics<arbitrary>], iteration_bounds = array<i64: 24>, scalar_prefetch = 3 : i64, scratch_operands = 0 : i64, tpu.core_type = #tpu.core_type<tc>, window_params = [{transform_indices = @transform_0, window_bounds = array<i64: 512, 384>}, {pipeline_mode = #tpu.pipeline_mode<synchronous>, transform_indices = @transform_1, window_bounds = array<i64: 8, 256, 512>}, {pipeline_mode = #tpu.pipeline_mode<synchronous>, transform_indices = @transform_2, window_bounds = array<i64: 8, 2, 512>}, {pipeline_mode = #tpu.pipeline_mode<synchronous>, transform_indices = @transform_3, window_bounds = array<i64: 8, 512, 512>}, {pipeline_mode = #tpu.pipeline_mode<synchronous>, transform_indices = @transform_4, window_bounds = array<i64: 8, 512, 512>}, {pipeline_mode = #tpu.pipeline_mode<synchronous>, transform_indices = @transform_5, window_bounds = array<i64: 8, 1, 512>}, {pipeline_mode = #tpu.pipeline_mode<synchronous>, transform_indices = @transform_6, window_bounds = array<i64: 128, 512>}, {pipeline_mode = #tpu.pipeline_mode<synchronous>, transform_indices = @transform_7, window_bounds = array<i64: 512, 1024>}, {pipeline_mode = #tpu.pipeline_mode<synchronous>, transform_indices = @transform_8, window_bounds = array<i64: 1, 1024>}, {pipeline_mode = #tpu.pipeline_mode<synchronous>, transform_indices = @transform_9, window_bounds = array<i64: 1024, 1024>}, {pipeline_mode = #tpu.pipeline_mode<synchronous>, transform_indices = @transform_10, window_bounds = array<i64: 1, 1024>}, {pipeline_mode = #tpu.pipeline_mode<synchronous>, transform_indices = @transform_11, window_bounds = array<i64: 4, 1024>}]} {
    %get3A = arith.index_cast %arg0 : i32 to index
    %get3A_0 = memref.load %arg1[%get3A] : memref<24xi32, #tpu.memory_space<smem>>
    %eq3A = arith.constant 0 : i32
    %eq3A_1 = arith.cmpi eq, %arg0, %eq3A : i32
    %convert_element_type3A = arith.extui %eq3A_1 : i1 to i32
    %cond3A = arith.constant 0 : i32
    %cond3A_2 = arith.cmpi ne, %convert_element_type3A, %cond3A : i32
    scf.if %cond3A_2 {
      %broadcast_in_dim3A = arith.constant -3.000000e+38 : f32
      %broadcast_in_dim3A_35 = vector.broadcast %broadcast_in_dim3A : f32 to vector<4x1024xf32>
      %swap3A = arith.constant 0 : index
      %swap3A_36 = arith.constant 0 : index
      %swap3A_37 = vector.load %arg15[%swap3A, %swap3A_36] : memref<4x1024xf32, #tpu.memory_space<vmem>>, vector<4x1024xf32>
      tpu.vector_store %arg15[%swap3A, %swap3A_36], %broadcast_in_dim3A_35 {strides = array<i32>} : memref<4x1024xf32, #tpu.memory_space<vmem>>, vector<4x1024xf32>,
    } else {
    }
    %get3A_3 = arith.index_cast %arg0 : i32 to index
    %get3A_4 = arith.constant 0 : index
    %get3A_5 = memref.load %arg3[%get3A_3, %get3A_4] : memref<24x4xi32, #tpu.memory_space<smem>>
    %get3A_6 = arith.index_cast %arg0 : i32 to index
    %get3A_7 = arith.constant 0 : index
    %get3A_8 = memref.load %arg2[%get3A_6, %get3A_7] : memref<24x4xi32, #tpu.memory_space<smem>>
    %gt3A = arith.cmpi sgt, %get3A_5, %get3A_8 : i32
    %get3A_9 = arith.index_cast %arg0 : i32 to index
    %get3A_10 = arith.constant 1 : index
    %get3A_11 = memref.load %arg3[%get3A_9, %get3A_10] : memref<24x4xi32, #tpu.memory_space<smem>>
    %get3A_12 = arith.index_cast %arg0 : i32 to index
    %get3A_13 = arith.constant 1 : index
    %get3A_14 = memref.load %arg2[%get3A_12, %get3A_13] : memref<24x4xi32, #tpu.memory_space<smem>>
    %gt3A_15 = arith.cmpi sgt, %get3A_11, %get3A_14 : i32
    %or3A = arith.ori %gt3A, %gt3A_15 : i1
    %get3A_16 = arith.index_cast %arg0 : i32 to index
    %get3A_17 = arith.constant 2 : index
    %get3A_18 = memref.load %arg3[%get3A_16, %get3A_17] : memref<24x4xi32, #tpu.memory_space<smem>>
    %get3A_19 = arith.index_cast %arg0 : i32 to index
    %get3A_20 = arith.constant 2 : index
    %get3A_21 = memref.load %arg2[%get3A_19, %get3A_20] : memref<24x4xi32, #tpu.memory_space<smem>>
    %gt3A_22 = arith.cmpi sgt, %get3A_18, %get3A_21 : i32
    %or3A_23 = arith.ori %or3A, %gt3A_22 : i1
    %get3A_24 = arith.index_cast %arg0 : i32 to index
    %get3A_25 = arith.constant 3 : index
    %get3A_26 = memref.load %arg3[%get3A_24, %get3A_25] : memref<24x4xi32, #tpu.memory_space<smem>>
    %get3A_27 = arith.index_cast %arg0 : i32 to index
    %get3A_28 = arith.constant 3 : index
    %get3A_29 = memref.load %arg2[%get3A_27, %get3A_28] : memref<24x4xi32, #tpu.memory_space<smem>>
    %gt3A_30 = arith.cmpi sgt, %get3A_26, %get3A_29 : i32
    %or3A_31 = arith.ori %or3A_23, %gt3A_30 : i1
    %convert_element_type3A_32 = arith.extui %or3A_31 : i1 to i32
    %cond3A_33 = arith.constant 0 : i32
    %cond3A_34 = arith.cmpi ne, %convert_element_type3A_32, %cond3A_33 : i32
    scf.if %cond3A_34 {
      %get3A_35 = arith.constant 0 : index
      %get3A_36 = arith.constant 0 : index
      %get3A_37 = vector.load %arg4[%get3A_35, %get3A_36] : memref<512x384xf32, #tpu.memory_space<vmem>>, vector<512x256xf32>
      %convert_element_type3A_38 = arith.truncf %get3A_37 : vector<512x256xf32> to vector<512x256xbf16>
      %get3A_39 = arith.constant 0 : index
      %get3A_40 = arith.constant 256 : index
      %get3A_41 = vector.load %arg4[%get3A_39, %get3A_40] : memref<512x384xf32, #tpu.memory_space<vmem>>, vector<512x128xf32>
      %convert_element_type3A_42 = arith.truncf %get3A_41 : vector<512x128xf32> to vector<512x128xbf16>
      %get3A_43 = arith.index_cast %get3A_0 : i32 to index
      %get3A_44 = arith.constant 0 : index
      %get3A_45 = arith.constant 0 : index
      %get3A_46 = vector.load %arg5[%get3A_43, %get3A_44, %get3A_45] : memref<8x256x512xbf16, #tpu.memory_space<vmem>>, vector<1x256x512xbf16>
      %get3A_47 = vector.shape_cast %get3A_46 : vector<1x256x512xbf16> to vector<256x512xbf16>
      %dot_general3A = arith.constant dense<0.000000e+00> : vector<512x512xf32>
      %dot_general3A_48 = tpu.matmul %convert_element_type3A_38, %get3A_47, %dot_general3A {dimension_numbers = #tpu.dot_dimension_numbers<[1], [0], [0], [1], [0, 0, 1, 1], [], []>, transpose_lhs_hint = false} : vector<512x256xbf16>, vector<256x512xbf16>, vector<512x512xf32> -> vector<512x512xf32>
      %get3A_49 = arith.index_cast %get3A_0 : i32 to index
      %get3A_50 = arith.constant 0 : index
      %get3A_51 = arith.constant 0 : index
      %get3A_52 = vector.load %arg6[%get3A_49, %get3A_50, %get3A_51] : memref<8x2x512xf32, #tpu.memory_space<vmem>>, vector<1x1x512xf32>
      %get3A_53 = vector.shape_cast %get3A_52 : vector<1x1x512xf32> to vector<1x512xf32>
      %add3A = vector.broadcast %get3A_53 : vector<1x512xf32> to vector<512x512xf32>
      %add3A_54 = arith.addf %dot_general3A_48, %add3A : vector<512x512xf32>
      %max3A = arith.constant 0.000000e+00 : f32
      %max3A_55 = vector.broadcast %max3A : f32 to vector<512x512xf32>
      %max3A_56 = arith.maximumf %add3A_54, %max3A_55 : vector<512x512xf32>
      %convert_element_type3A_57 = arith.truncf %max3A_56 : vector<512x512xf32> to vector<512x512xbf16>
      %get3A_58 = arith.index_cast %get3A_0 : i32 to index
      %get3A_59 = arith.constant 0 : index
      %get3A_60 = arith.constant 0 : index
      %get3A_61 = vector.load %arg7[%get3A_58, %get3A_59, %get3A_60] : memref<8x512x512xbf16, #tpu.memory_space<vmem>>, vector<1x512x512xbf16>
      %get3A_62 = vector.shape_cast %get3A_61 : vector<1x512x512xbf16> to vector<512x512xbf16>
      %dot_general3A_63 = arith.constant dense<0.000000e+00> : vector<512x512xf32>
      %dot_general3A_64 = tpu.matmul %convert_element_type3A_57, %get3A_62, %dot_general3A_63 {dimension_numbers = #tpu.dot_dimension_numbers<[1], [0], [0], [1], [0, 0, 1, 1], [], []>, transpose_lhs_hint = false} : vector<512x512xbf16>, vector<512x512xbf16>, vector<512x512xf32> -> vector<512x512xf32>
      %get3A_65 = arith.index_cast %get3A_0 : i32 to index
      %get3A_66 = arith.constant 1 : index
      %get3A_67 = arith.constant 0 : index
      %get3A_68 = vector.load %arg6[%get3A_65, %get3A_66, %get3A_67] : memref<8x2x512xf32, #tpu.memory_space<vmem>>, vector<1x1x512xf32>
      %get3A_69 = vector.shape_cast %get3A_68 : vector<1x1x512xf32> to vector<1x512xf32>
      %add3A_70 = vector.broadcast %get3A_69 : vector<1x512xf32> to vector<512x512xf32>
      %add3A_71 = arith.addf %dot_general3A_64, %add3A_70 : vector<512x512xf32>
      %max3A_72 = arith.constant 0.000000e+00 : f32
      %max3A_73 = vector.broadcast %max3A_72 : f32 to vector<512x512xf32>
      %max3A_74 = arith.maximumf %add3A_71, %max3A_73 : vector<512x512xf32>
      %convert_element_type3A_75 = arith.truncf %max3A_74 : vector<512x512xf32> to vector<512x512xbf16>
      %get3A_76 = arith.index_cast %get3A_0 : i32 to index
      %get3A_77 = arith.constant 0 : index
      %get3A_78 = arith.constant 0 : index
      %get3A_79 = vector.load %arg8[%get3A_76, %get3A_77, %get3A_78] : memref<8x512x512xbf16, #tpu.memory_space<vmem>>, vector<1x512x512xbf16>
      %get3A_80 = vector.shape_cast %get3A_79 : vector<1x512x512xbf16> to vector<512x512xbf16>
      %dot_general3A_81 = arith.constant dense<0.000000e+00> : vector<512x512xf32>
      %dot_general3A_82 = tpu.matmul %convert_element_type3A_75, %get3A_80, %dot_general3A_81 {dimension_numbers = #tpu.dot_dimension_numbers<[1], [0], [0], [1], [0, 0, 1, 1], [], []>, transpose_lhs_hint = false} : vector<512x512xbf16>, vector<512x512xbf16>, vector<512x512xf32> -> vector<512x512xf32>
      %get3A_83 = arith.constant 0 : index
      %get3A_84 = arith.constant 0 : index
      %get3A_85 = vector.load %arg10[%get3A_83, %get3A_84] : memref<128x512xbf16, #tpu.memory_space<vmem>>, vector<128x512xbf16>
      %dot_general3A_86 = arith.constant dense<0.000000e+00> : vector<512x512xf32>
      %dot_general3A_87 = tpu.matmul %convert_element_type3A_42, %get3A_85, %dot_general3A_86 {dimension_numbers = #tpu.dot_dimension_numbers<[1], [0], [0], [1], [0, 0, 1, 1], [], []>, transpose_lhs_hint = false} : vector<512x128xbf16>, vector<128x512xbf16>, vector<512x512xf32> -> vector<512x512xf32>
      %add3A_88 = arith.addf %dot_general3A_82, %dot_general3A_87 : vector<512x512xf32>
      %get3A_89 = arith.index_cast %get3A_0 : i32 to index
      %get3A_90 = arith.constant 0 : index
      %get3A_91 = arith.constant 0 : index
      %get3A_92 = vector.load %arg9[%get3A_89, %get3A_90, %get3A_91] : memref<8x1x512xf32, #tpu.memory_space<vmem>>, vector<1x1x512xf32>
      %get3A_93 = vector.shape_cast %get3A_92 : vector<1x1x512xf32> to vector<1x512xf32>
      %add3A_94 = vector.broadcast %get3A_93 : vector<1x512xf32> to vector<512x512xf32>
      %add3A_95 = arith.addf %add3A_88, %add3A_94 : vector<512x512xf32>
      %max3A_96 = arith.constant 0.000000e+00 : f32
      %max3A_97 = vector.broadcast %max3A_96 : f32 to vector<512x512xf32>
      %max3A_98 = arith.maximumf %add3A_95, %max3A_97 : vector<512x512xf32>
      %convert_element_type3A_99 = arith.truncf %max3A_98 : vector<512x512xf32> to vector<512x512xbf16>
      %get3A_100 = arith.constant 0 : index
      %get3A_101 = arith.constant 0 : index
      %get3A_102 = vector.load %arg11[%get3A_100, %get3A_101] : memref<512x1024xbf16, #tpu.memory_space<vmem>>, vector<512x1024xbf16>
      %dot_general3A_103 = arith.constant dense<0.000000e+00> : vector<512x1024xf32>
      %dot_general3A_104 = tpu.matmul %convert_element_type3A_99, %get3A_102, %dot_general3A_103 {dimension_numbers = #tpu.dot_dimension_numbers<[1], [0], [0], [1], [0, 0, 1, 1], [], []>, transpose_lhs_hint = false} : vector<512x512xbf16>, vector<512x1024xbf16>, vector<512x1024xf32> -> vector<512x1024xf32>
      %get3A_105 = arith.constant 0 : index
      %get3A_106 = arith.constant 0 : index
      %get3A_107 = vector.load %arg12[%get3A_105, %get3A_106] : memref<1x1024xf32, #tpu.memory_space<vmem>>, vector<1x1024xf32>
      %add3A_108 = vector.broadcast %get3A_107 : vector<1x1024xf32> to vector<512x1024xf32>
      %add3A_109 = arith.addf %dot_general3A_104, %add3A_108 : vector<512x1024xf32>
      %max3A_110 = arith.constant 0.000000e+00 : f32
      %max3A_111 = vector.broadcast %max3A_110 : f32 to vector<512x1024xf32>
      %max3A_112 = arith.maximumf %add3A_109, %max3A_111 : vector<512x1024xf32>
      %convert_element_type3A_113 = arith.truncf %max3A_112 : vector<512x1024xf32> to vector<512x1024xbf16>
      %get3A_114 = arith.constant 0 : index
      %get3A_115 = arith.constant 0 : index
      %get3A_116 = vector.load %arg13[%get3A_114, %get3A_115] : memref<1024x1024xbf16, #tpu.memory_space<vmem>>, vector<1024x1024xbf16>
      %dot_general3A_117 = arith.constant dense<0.000000e+00> : vector<512x1024xf32>
      %dot_general3A_118 = tpu.matmul %convert_element_type3A_113, %get3A_116, %dot_general3A_117 {dimension_numbers = #tpu.dot_dimension_numbers<[1], [0], [0], [1], [0, 0, 1, 1], [], []>, transpose_lhs_hint = false} : vector<512x1024xbf16>, vector<1024x1024xbf16>, vector<512x1024xf32> -> vector<512x1024xf32>
      %get3A_119 = arith.constant 0 : index
      %get3A_120 = arith.constant 0 : index
      %get3A_121 = vector.load %arg14[%get3A_119, %get3A_120] : memref<1x1024xf32, #tpu.memory_space<vmem>>, vector<1x1024xf32>
      %add3A_122 = vector.broadcast %get3A_121 : vector<1x1024xf32> to vector<512x1024xf32>
      %add3A_123 = arith.addf %dot_general3A_118, %add3A_122 : vector<512x1024xf32>
      %iota3A = tpu.iota {dimensions = array<i32: 0>} : vector<512x1xi32>
      %get3A_124 = arith.index_cast %arg0 : i32 to index
      %get3A_125 = arith.constant 0 : index
      %get3A_126 = memref.load %arg2[%get3A_124, %get3A_125] : memref<24x4xi32, #tpu.memory_space<smem>>
      %ge3A = vector.broadcast %get3A_126 : i32 to vector<512x1xi32>
      %ge3A_127 = arith.cmpi sge, %iota3A, %ge3A : vector<512x1xi32>
      %get3A_128 = arith.index_cast %arg0 : i32 to index
      %get3A_129 = arith.constant 0 : index
      %get3A_130 = memref.load %arg3[%get3A_128, %get3A_129] : memref<24x4xi32, #tpu.memory_space<smem>>
      %lt3A = vector.broadcast %get3A_130 : i32 to vector<512x1xi32>
      %lt3A_131 = arith.cmpi slt, %iota3A, %lt3A : vector<512x1xi32>
      %and3A = arith.andi %ge3A_127, %lt3A_131 : vector<512x1xi1>
      %jit3A = arith.constant -3.000000e+38 : f32
      %broadcast_in_dim3A = vector.shape_cast %and3A : vector<512x1xi1> to vector<512x1xi1>
      %broadcast_in_dim3A_132 = vector.broadcast %broadcast_in_dim3A : vector<512x1xi1> to vector<512x1024xi1>
      %broadcast_in_dim3A_133 = vector.broadcast %jit3A : f32 to vector<512x1024xf32>
      %select_n3A = arith.select %broadcast_in_dim3A_132, %add3A_123, %broadcast_in_dim3A_133 : vector<512x1024xi1>, vector<512x1024xf32>
      %reduce_max3A = arith.constant dense<0xFF800000> : vector<1024xf32>
      %reduce_max3A_134 = vector.multi_reduction <maximumf>, %select_n3A, %reduce_max3A [0] : vector<512x1024xf32> to vector<1024xf32>
      %get3A_135 = arith.index_cast %arg0 : i32 to index
      %get3A_136 = arith.constant 1 : index
      %get3A_137 = memref.load %arg2[%get3A_135, %get3A_136] : memref<24x4xi32, #tpu.memory_space<smem>>
      %ge3A_138 = vector.broadcast %get3A_137 : i32 to vector<512x1xi32>
      %ge3A_139 = arith.cmpi sge, %iota3A, %ge3A_138 : vector<512x1xi32>
      %get3A_140 = arith.index_cast %arg0 : i32 to index
      %get3A_141 = arith.constant 1 : index
      %get3A_142 = memref.load %arg3[%get3A_140, %get3A_141] : memref<24x4xi32, #tpu.memory_space<smem>>
      %lt3A_143 = vector.broadcast %get3A_142 : i32 to vector<512x1xi32>
      %lt3A_144 = arith.cmpi slt, %iota3A, %lt3A_143 : vector<512x1xi32>
      %and3A_145 = arith.andi %ge3A_139, %lt3A_144 : vector<512x1xi1>
      %jit3A_146 = arith.constant -3.000000e+38 : f32
      %broadcast_in_dim3A_147 = vector.shape_cast %and3A_145 : vector<512x1xi1> to vector<512x1xi1>
      %broadcast_in_dim3A_148 = vector.broadcast %broadcast_in_dim3A_147 : vector<512x1xi1> to vector<512x1024xi1>
      %broadcast_in_dim3A_149 = vector.broadcast %jit3A_146 : f32 to vector<512x1024xf32>
      %select_n3A_150 = arith.select %broadcast_in_dim3A_148, %add3A_123, %broadcast_in_dim3A_149 : vector<512x1024xi1>, vector<512x1024xf32>
      %reduce_max3A_151 = arith.constant dense<0xFF800000> : vector<1024xf32>
      %reduce_max3A_152 = vector.multi_reduction <maximumf>, %select_n3A_150, %reduce_max3A_151 [0] : vector<512x1024xf32> to vector<1024xf32>
      %get3A_153 = arith.index_cast %arg0 : i32 to index
      %get3A_154 = arith.constant 2 : index
      %get3A_155 = memref.load %arg2[%get3A_153, %get3A_154] : memref<24x4xi32, #tpu.memory_space<smem>>
      %ge3A_156 = vector.broadcast %get3A_155 : i32 to vector<512x1xi32>
      %ge3A_157 = arith.cmpi sge, %iota3A, %ge3A_156 : vector<512x1xi32>
      %get3A_158 = arith.index_cast %arg0 : i32 to index
      %get3A_159 = arith.constant 2 : index
      %get3A_160 = memref.load %arg3[%get3A_158, %get3A_159] : memref<24x4xi32, #tpu.memory_space<smem>>
      %lt3A_161 = vector.broadcast %get3A_160 : i32 to vector<512x1xi32>
      %lt3A_162 = arith.cmpi slt, %iota3A, %lt3A_161 : vector<512x1xi32>
      %and3A_163 = arith.andi %ge3A_157, %lt3A_162 : vector<512x1xi1>
      %jit3A_164 = arith.constant -3.000000e+38 : f32
      %broadcast_in_dim3A_165 = vector.shape_cast %and3A_163 : vector<512x1xi1> to vector<512x1xi1>
      %broadcast_in_dim3A_166 = vector.broadcast %broadcast_in_dim3A_165 : vector<512x1xi1> to vector<512x1024xi1>
      %broadcast_in_dim3A_167 = vector.broadcast %jit3A_164 : f32 to vector<512x1024xf32>
      %select_n3A_168 = arith.select %broadcast_in_dim3A_166, %add3A_123, %broadcast_in_dim3A_167 : vector<512x1024xi1>, vector<512x1024xf32>
      %reduce_max3A_169 = arith.constant dense<0xFF800000> : vector<1024xf32>
      %reduce_max3A_170 = vector.multi_reduction <maximumf>, %select_n3A_168, %reduce_max3A_169 [0] : vector<512x1024xf32> to vector<1024xf32>
      %get3A_171 = arith.index_cast %arg0 : i32 to index
      %get3A_172 = arith.constant 3 : index
      %get3A_173 = memref.load %arg2[%get3A_171, %get3A_172] : memref<24x4xi32, #tpu.memory_space<smem>>
      %ge3A_174 = vector.broadcast %get3A_173 : i32 to vector<512x1xi32>
      %ge3A_175 = arith.cmpi sge, %iota3A, %ge3A_174 : vector<512x1xi32>
      %get3A_176 = arith.index_cast %arg0 : i32 to index
      %get3A_177 = arith.constant 3 : index
      %get3A_178 = memref.load %arg3[%get3A_176, %get3A_177] : memref<24x4xi32, #tpu.memory_space<smem>>
      %lt3A_179 = vector.broadcast %get3A_178 : i32 to vector<512x1xi32>
      %lt3A_180 = arith.cmpi slt, %iota3A, %lt3A_179 : vector<512x1xi32>
      %and3A_181 = arith.andi %ge3A_175, %lt3A_180 : vector<512x1xi1>
      %jit3A_182 = arith.constant -3.000000e+38 : f32
      %broadcast_in_dim3A_183 = vector.shape_cast %and3A_181 : vector<512x1xi1> to vector<512x1xi1>
      %broadcast_in_dim3A_184 = vector.broadcast %broadcast_in_dim3A_183 : vector<512x1xi1> to vector<512x1024xi1>
      %broadcast_in_dim3A_185 = vector.broadcast %jit3A_182 : f32 to vector<512x1024xf32>
      %select_n3A_186 = arith.select %broadcast_in_dim3A_184, %add3A_123, %broadcast_in_dim3A_185 : vector<512x1024xi1>, vector<512x1024xf32>
      %reduce_max3A_187 = arith.constant dense<0xFF800000> : vector<1024xf32>
      %reduce_max3A_188 = vector.multi_reduction <maximumf>, %select_n3A_186, %reduce_max3A_187 [0] : vector<512x1024xf32> to vector<1024xf32>
      %stack3A = vector.shape_cast %reduce_max3A_134 : vector<1024xf32> to vector<1x1024xf32>
      %stack3A_189 = vector.shape_cast %reduce_max3A_152 : vector<1024xf32> to vector<1x1024xf32>
      %stack3A_190 = vector.shape_cast %reduce_max3A_170 : vector<1024xf32> to vector<1x1024xf32>
      %stack3A_191 = vector.shape_cast %reduce_max3A_188 : vector<1024xf32> to vector<1x1024xf32>
      %stack3A_192 = tpu.concatenate %stack3A, %stack3A_189, %stack3A_190, %stack3A_191 in 0 : vector<1x1024xf32>, vector<1x1024xf32>, vector<1x1024xf32>, vector<1x1024xf32> -> vector<4x1024xf32>
      %get3A_193 = arith.constant 0 : index
      %get3A_194 = arith.constant 0 : index
      %get3A_195 = vector.load %arg15[%get3A_193, %get3A_194] : memref<4x1024xf32, #tpu.memory_space<vmem>>, vector<4x1024xf32>
      %max3A_196 = arith.maximumf %get3A_195, %stack3A_192 : vector<4x1024xf32>
      %swap3A = arith.constant 0 : index
      %swap3A_197 = arith.constant 0 : index
      %swap3A_198 = vector.load %arg15[%swap3A, %swap3A_197] : memref<4x1024xf32, #tpu.memory_space<vmem>>, vector<4x1024xf32>
      tpu.vector_store %arg15[%swap3A, %swap3A_197], %max3A_196 {strides = array<i32>} : memref<4x1024xf32, #tpu.memory_space<vmem>>, vector<4x1024xf32>,
    } else {
    }
    return
  }
  func.func @transform_0(%arg0: i32, %arg1: memref<24xi32, #tpu.memory_space<smem>>, %arg2: memref<24x4xi32, #tpu.memory_space<smem>>, %arg3: memref<24x4xi32, #tpu.memory_space<smem>>) -> (i32, i32) {
    %c0_i32 = arith.constant 0 : i32
    %c0_i32_0 = arith.constant 0 : i32
    return %arg0, %c0_i32 : i32, i32
  }
  func.func @transform_1(%arg0: i32, %arg1: memref<24xi32, #tpu.memory_space<smem>>, %arg2: memref<24x4xi32, #tpu.memory_space<smem>>, %arg3: memref<24x4xi32, #tpu.memory_space<smem>>) -> (i32, i32, i32) {
    %c0_i32 = arith.constant 0 : i32
    %c0_i32_0 = arith.constant 0 : i32
    %c0_i32_1 = arith.constant 0 : i32
    %c0_i32_2 = arith.constant 0 : i32
    return %c0_i32, %c0_i32_0, %c0_i32_1 : i32, i32, i32
  }
  func.func @transform_2(%arg0: i32, %arg1: memref<24xi32, #tpu.memory_space<smem>>, %arg2: memref<24x4xi32, #tpu.memory_space<smem>>, %arg3: memref<24x4xi32, #tpu.memory_space<smem>>) -> (i32, i32, i32) {
    %c0_i32 = arith.constant 0 : i32
    %c0_i32_0 = arith.constant 0 : i32
    %c0_i32_1 = arith.constant 0 : i32
    %c0_i32_2 = arith.constant 0 : i32
    return %c0_i32, %c0_i32_0, %c0_i32_1 : i32, i32, i32
  }
  func.func @transform_3(%arg0: i32, %arg1: memref<24xi32, #tpu.memory_space<smem>>, %arg2: memref<24x4xi32, #tpu.memory_space<smem>>, %arg3: memref<24x4xi32, #tpu.memory_space<smem>>) -> (i32, i32, i32) {
    %c0_i32 = arith.constant 0 : i32
    %c0_i32_0 = arith.constant 0 : i32
    %c0_i32_1 = arith.constant 0 : i32
    %c0_i32_2 = arith.constant 0 : i32
    return %c0_i32, %c0_i32_0, %c0_i32_1 : i32, i32, i32
  }
  func.func @transform_4(%arg0: i32, %arg1: memref<24xi32, #tpu.memory_space<smem>>, %arg2: memref<24x4xi32, #tpu.memory_space<smem>>, %arg3: memref<24x4xi32, #tpu.memory_space<smem>>) -> (i32, i32, i32) {
    %c0_i32 = arith.constant 0 : i32
    %c0_i32_0 = arith.constant 0 : i32
    %c0_i32_1 = arith.constant 0 : i32
    %c0_i32_2 = arith.constant 0 : i32
    return %c0_i32, %c0_i32_0, %c0_i32_1 : i32, i32, i32
  }
  func.func @transform_5(%arg0: i32, %arg1: memref<24xi32, #tpu.memory_space<smem>>, %arg2: memref<24x4xi32, #tpu.memory_space<smem>>, %arg3: memref<24x4xi32, #tpu.memory_space<smem>>) -> (i32, i32, i32) {
    %c0_i32 = arith.constant 0 : i32
    %c0_i32_0 = arith.constant 0 : i32
    %c0_i32_1 = arith.constant 0 : i32
    %c0_i32_2 = arith.constant 0 : i32
    return %c0_i32, %c0_i32_0, %c0_i32_1 : i32, i32, i32
  }
  func.func @transform_6(%arg0: i32, %arg1: memref<24xi32, #tpu.memory_space<smem>>, %arg2: memref<24x4xi32, #tpu.memory_space<smem>>, %arg3: memref<24x4xi32, #tpu.memory_space<smem>>) -> (i32, i32) {
    %c0_i32 = arith.constant 0 : i32
    %c0_i32_0 = arith.constant 0 : i32
    %c0_i32_1 = arith.constant 0 : i32
    return %c0_i32, %c0_i32_0 : i32, i32
  }
  func.func @transform_7(%arg0: i32, %arg1: memref<24xi32, #tpu.memory_space<smem>>, %arg2: memref<24x4xi32, #tpu.memory_space<smem>>, %arg3: memref<24x4xi32, #tpu.memory_space<smem>>) -> (i32, i32) {
    %c0_i32 = arith.constant 0 : i32
    %c0_i32_0 = arith.constant 0 : i32
    %c0_i32_1 = arith.constant 0 : i32
    return %c0_i32, %c0_i32_0 : i32, i32
  }
  func.func @transform_8(%arg0: i32, %arg1: memref<24xi32, #tpu.memory_space<smem>>, %arg2: memref<24x4xi32, #tpu.memory_space<smem>>, %arg3: memref<24x4xi32, #tpu.memory_space<smem>>) -> (i32, i32) {
    %c0_i32 = arith.constant 0 : i32
    %c0_i32_0 = arith.constant 0 : i32
    %c0_i32_1 = arith.constant 0 : i32
    return %c0_i32, %c0_i32_0 : i32, i32
  }
  func.func @transform_9(%arg0: i32, %arg1: memref<24xi32, #tpu.memory_space<smem>>, %arg2: memref<24x4xi32, #tpu.memory_space<smem>>, %arg3: memref<24x4xi32, #tpu.memory_space<smem>>) -> (i32, i32) {
    %c0_i32 = arith.constant 0 : i32
    %c0_i32_0 = arith.constant 0 : i32
    %c0_i32_1 = arith.constant 0 : i32
    return %c0_i32, %c0_i32_0 : i32, i32
  }
  func.func @transform_10(%arg0: i32, %arg1: memref<24xi32, #tpu.memory_space<smem>>, %arg2: memref<24x4xi32, #tpu.memory_space<smem>>, %arg3: memref<24x4xi32, #tpu.memory_space<smem>>) -> (i32, i32) {
    %c0_i32 = arith.constant 0 : i32
    %c0_i32_0 = arith.constant 0 : i32
    %c0_i32_1 = arith.constant 0 : i32
    return %c0_i32, %c0_i32_0 : i32, i32
  }
  func.func @transform_11(%arg0: i32, %arg1: memref<24xi32, #tpu.memory_space<smem>>, %arg2: memref<24x4xi32, #tpu.memory_space<smem>>, %arg3: memref<24x4xi32, #tpu.memory_space<smem>>) -> (i32, i32) {
    %c0_i32 = arith.constant 0 : i32
    %c0_i32_0 = arith.constant 0 : i32
    %c0_i32_1 = arith.constant 0 : i32
    return %c0_i32, %c0_i32_0 : i32, i32
  }
}

</mosaic_0001>

<sc_bundles>
// kernel: kernel.4.cloned.1.call-start
scs
__scs_entry_jumppad:
0x0: {  	(pc) =	sbr.rel $0x88, $3  }
0x1: {  	(tag) =	ssettag $0x0;
	lr =	simm.s32 $0x1  }
0x2: {  	[smem:$0x3F93] =	sst lr;
	_ =	strace $0xD0000000  }
0x3: {  	_ = 	snop  }
0x4: {  	_ = 	snop  }
0x5: {  	_ = 	snop  }
0x6: {  	_ = 	snop  }
0x7: {  	_ = 	snop  }
__scs_overlays_trampoline_lowered:
0x8: {  	[smem:$0x3FA2] =	sst s0  }
0x9: {  	[smem:$0x3FA3] =	sst s1  }
0xa: {  	[smem:$0x3FA4] =	sst s2  }
0xb: {  	[smem:$0x3FA5] =	sst s3  }
0xc: {  	[smem:$0x3FA6] =	sst s4  }
0xd: {  	[smem:$0x3FA7] =	sst s5  }
0xe: {  	[smem:$0x3FA8] =	sst s6  }
0xf: {  	[smem:$0x3FA9] =	sst s7  }
0x10: {  	[smem:$0x3FAA] =	sst s8  }
0x11: {  	[smem:$0x3FAB] =	sst s9;
	s0 =	simm.s32 @!p0 $0x0  }
0x12: {  	s1 =	sld [smem:$0x3F91];
	s0 =	simm.s32 @p0 $0x1  }
0x13: {  	[smem:$0x3FAC] =	sst s0;
	s0 =	simm.s32 @!p1 $0x0  }
0x14: {  	s2 =	sld [smem:$0x3F90];
	s0 =	simm.s32 @p1 $0x1  }
0x15: {  	[smem:$0x3FAD] =	sst s0;
	s0 =	simm.s32 @!p2 $0x0  }
0x16: {  	s3 =	sld [smem:$0x3FDB];
	s0 =	simm.s32 @p2 $0x1  }
0x17: {  	s4 =	simm.s32 $0x1BF5;
	[smem:$0x3FAF] =	sst s0  }
0x18: {  	s0 =	sld [smem:$0x3F92];
	_ =	swait.ge [sflag:s4], $0x0  }
0x19: {  	s7 =	sld [smem:$0x3F93]  }
0x1a: {  	s8 =	sadd.s32 $0xFFFFE003, lr  }
0x1b: {  	s9 =	sadd.s32 $0xFFFFFEF7, lr;
	s5 =	simm.s32 $0xFFFFFFFF;
	p2 =	slt.u32 s8, $0xFFFFF086  }
0x1c: {  	p1 =	slt.u32 s9, $0xF7A;
	s5 =	simm.s32 @!p2 $0x0  }
0x1d: {  	s5 =	simm.s32 @p1 $0x1;
	p0 =	seq.s32 s7, s2  }
0x1e: {  	s7 =	smul.u32 @!p0 $0xF7A, s2;
	p2 =	seq.s32 @!p0 s5, $0x0  }
0x1f: {  	s9 =	smul.u32 $0xF7A, s1;
	s8 =	simm.s32 @!p0 $0x1BF5;
	p2 =	por !p2, p0  }
0x20: {  	[sflag:s8] =	ssyncset.s32 @!p0 $0xFFFFF086;
	s6 =	sadd.s32 @!p0 s3, s7;
	s7 =	simm.s32 @!p0 $0x108  }
0x21: {  	s3 =	sadd.s32 s3, s9;
	s6 =	sadd.s32 @!p0 $0x88, s6;
	s7 =	simm.s32 @p2 $0x1082  }
0x22: {  	[simem:s7], [sflag:s8] =	dma.local @!p0 [hbm:s6], $0xF7A  }
0x23: {  	s9 =	sor.u32 $0xD0000000, s2;
	s6 =	simm.s32 $0x108;
	_ =	swait.ge @!p0 [sflag:s8], $0x0  }
0x24: {  	s3 =	sadd.s32 $0x88, s3;
	s6 =	simm.s32 @!p1 $0x1082;
	[sflag:s4] =	ssyncset.s32 $0xFFFFF086  }
0x25: {  	[simem:s6], [sflag:s4] =	dma.local [hbm:s3], $0xF7A  }
0x26: {  	[smem:$0x3F93] =	sst s1;
	(tag) =	ssettag s2;
	_ =	strace s9  }
0x27: {  	s1 =	sld [smem:$0x3FA3]  }
0x28: {  	s2 =	sld [smem:$0x3FA4]  }
0x29: {  	s4 =	sld [smem:$0x3FA6]  }
0x2a: {  	p0 =	seq.s32 s5, $0x0;
	s5 =	sld [smem:$0x3FA7]  }
0x2b: {  	s6 =	sld [smem:$0x3FA8]  }
0x2c: {  	s7 =	sld [smem:$0x3FA9]  }
0x2d: {  	s3 =	simm.s32 $0x108;
	s8 =	sld [smem:$0x3FAA]  }
0x2e: {  	s3 =	simm.s32 @!p0 $0x1082;
	s9 =	sld [smem:$0x3FAB]  }
0x2f: {  	lr =	sadd.s32 s0, s3;
	s0 =	sld [smem:$0x3FA2]  }
0x30: {  	s3 =	sld [smem:$0x3FA5]  }
0x31: {  	[smem:$0x3FAE] =	sst s10  }
0x32: {  	s10 =	sld [smem:$0x3FAC];
	_ =	sdelay $0x3  }
0x33: {  	p0 =	seq.s32 s10, $0x1;
	s10 =	sld [smem:$0x3FAE];
	_ =	sdelay $0x3  }
0x34: {  	[smem:$0x3FAE] =	sst s10  }
0x35: {  	s10 =	sld [smem:$0x3FAD];
	_ =	sdelay $0x3  }
0x36: {  	p1 =	seq.s32 s10, $0x1;
	s10 =	sld [smem:$0x3FAE];
	_ =	sdelay $0x3  }
0x37: {  	[smem:$0x3FAE] =	sst s10  }
0x38: {  	s10 =	sld [smem:$0x3FAF]  }
0x39: {  	_ = 	snop;
	(pc) =	sbr.ind lr, $3  }
0x3a: {  	_ = 	snop  }
0x3b: {  	_ = 	snop  }
0x3c: {  	p2 =	seq.s32 s10, $0x1;
	s10 =	sld [smem:$0x3FAE]  }
0x3d: {  	_ =	shalt  }
0x3e: {  	_ =	shalt  }
0x3f: {  	_ =	shalt  }
0x40: {  	_ =	shalt  }
0x41: {  	_ =	shalt  }
0x42: {  	_ =	shalt  }
0x43: {  	_ =	shalt  }
0x44: {  	_ =	shalt  }
0x45: {  	_ =	shalt  }
0x46: {  	_ =	shalt  }
0x47: {  	_ =	shalt  }
0x48: {  	_ =	shalt  }
0x49: {  	_ =	shalt  }
0x4a: {  	_ =	shalt  }
0x4b: {  	_ =	shalt  }
0x4c: {  	_ =	shalt  }
0x4d: {  	_ =	shalt  }
0x4e: {  	_ =	shalt  }
0x4f: {  	_ =	shalt  }
0x50: {  	_ =	shalt  }
0x51: {  	_ =	shalt  }
0x52: {  	_ =	shalt  }
0x53: {  	_ =	shalt  }
0x54: {  	_ =	shalt  }
0x55: {  	_ =	shalt  }
0x56: {  	_ =	shalt  }
0x57: {  	_ =	shalt  }
0x58: {  	_ =	shalt  }
0x59: {  	_ =	shalt  }
0x5a: {  	_ =	shalt  }
0x5b: {  	_ =	shalt  }
0x5c: {  	_ =	shalt  }
0x5d: {  	_ =	shalt  }
0x5e: {  	_ =	shalt  }
0x5f: {  	_ =	shalt  }
0x60: {  	_ =	shalt  }
0x61: {  	_ =	shalt  }
0x62: {  	_ =	shalt  }
0x63: {  	_ =	shalt  }
0x64: {  	_ =	shalt  }
0x65: {  	_ =	shalt  }
0x66: {  	_ =	shalt  }
0x67: {  	_ =	shalt  }
0x68: {  	_ =	shalt  }
0x69: {  	_ =	shalt  }
0x6a: {  	_ =	shalt  }
0x6b: {  	_ =	shalt  }
0x6c: {  	_ =	shalt  }
0x6d: {  	_ =	shalt  }
0x6e: {  	_ =	shalt  }
0x6f: {  	_ =	shalt  }
0x70: {  	_ =	shalt  }
0x71: {  	_ =	shalt  }
0x72: {  	_ =	shalt  }
0x73: {  	_ =	shalt  }
0x74: {  	_ =	shalt  }
0x75: {  	_ =	shalt  }
0x76: {  	_ =	shalt  }
0x77: {  	_ =	shalt  }
0x78: {  	_ =	shalt  }
0x79: {  	_ =	shalt  }
0x7a: {  	_ =	shalt  }
0x7b: {  	_ =	shalt  }
0x7c: {  	_ =	shalt  }
0x7d: {  	_ =	shalt  }
0x7e: {  	_ =	shalt  }
0x7f: {  	_ =	shalt  }
0x80: {  	_ =	shalt  }
0x81: {  	_ =	shalt  }
0x82: {  	_ =	shalt  }
0x83: {  	_ =	shalt  }
0x84: {  	_ =	shalt  }
0x85: {  	_ =	shalt  }
0x86: {  	_ =	shalt  }
0x87: {  	_ =	shalt  }
.Lfunc_end0:
.L_simem_size_0:
called_computation_lowered:
.L_overlay_start_0:
0x88: {  	s2 =	sld [smem:$0x3FD9]  }
0x89: {  	s3 =	sld [smem:$0x3FFE];
	_ =	sdelay $0x1  }
0x8a: {  	s1 =	srdreg.scid  }
0x8b: {  	s0 =	sand.u32 $0x1, s1  }
0x8c: {  	s16 =	sshll.u32 s0, $0xA;
	s2 =	sadd.s32 s3, s2  }
0x8d: {  	s2 =	sadd.s32 s2, s16  }
0x8e: {  	[smem:$0x3FBA] =	sst s2  }
0x8f: {  	_ = 	snop  }
0x90: {  	(tm) =	ssettm $0x1  }
0x91: {  	s17 =	sld [smem:$0x3FFB];
	_ =	sdelay $0x3  }
0x92: {  	_ =	strace s17  }
0x93: {  	s2 =	sld [smem:$0x3FFC];
	_ =	sdelay $0x3  }
0x94: {  	_ =	strace s2  }
0x95: {  	s2 =	sld [smem:$0x3FFD];
	_ =	sdelay $0x3  }
0x96: {  	_ =	strace s2  }
0x97: {  	_ =	strace $0x8FFFFFFF  }
0x98: {  	s18 =	sld [smem:$0x3FDB];
	_ =	sdelay $0x1  }
0x99: {  	s19 =	simm.s32 $_scs_section_size  }
0x9a: {  	s4 =	simm.s32 $_size__tile_overlayer_lowered;
	s5 =	simm.s32 $_tile_overlayer_lowered  }
0x9b: {  	s22 =	simm.s32 $0x1BFF;
	s21 =	sshll.u32 s5, $0x1;
	s2 =	sadd.s32 s19, s18  }
0x9c: {  	s6 =	simm.s32 $0x0;
	s20 =	sshll.u32 s4, $0x1;
	s4 =	sadd.s32 s21, s2  }
0x9d: {  	[timem:s6], [sflag:s22] =	dma.local [hbm:s4], s20  }
0x9e: {  	_ =	swait.ge [sflag:s22], s20  }
0x9f: {  	s3 =	ssub.s32 $0x0, s20;
	[sflag:s22] =	ssyncset.done $0x0  }
0xa0: {  	[sflag:s22] =	ssyncadd.s32 s3;
	_ =	sdelay $0x1  }
0xa1: {  	s23 =	simm.s32 $0x1B8B  }
0xa2: {  	_ =	swait.ge [sflag:s23], $0x1  }
0xa3: {  	[sflag:s23] =	ssyncset.done $0x0  }
0xa4: {  	s25 =	simm.s32 $0x1B8E;
	s24 =	sld [smem:$0x3FFE];
	[sflag:s23] =	ssyncadd.s32 $0xFFFFFFFF  }
0xa5: {  	s26 =	simm.s32 $execute0_lowered;
	[smem:$0x3FD2] =	sst s25  }
0xa6: {  	s4 =	sshll.u32 s26, $0x1;
	_ =	strace $0x80000046;
	[dreg:$0x1] =	wrdreg $0xFFFFFFFF  }
0xa7: {  	s28 =	simm.s32 $_size_execute0_lowered;
	s2 =	sadd.s32 s2, s4;
	[dreg:$0x0] =	wrdreg $0x0  }
0xa8: {  	s4 =	sshll.u32 s28, $0x1;
	[dreg:$0x2] =	wrdreg s2  }
0xa9: {  	[dreg:$0x3] =	wrdreg s4  }
0xaa: {  	[dreg:$0x4] =	wrdreg $0xC0  }
0xab: {  	_ =	task [dreg:s6], $0x5FFFF  }
0xac: {  	[dreg:$0x1] =	wrdreg $0xFFFFFFFF  }
0xad: {  	[dreg:$0x0] =	wrdreg $0x60  }
0xae: {  	[dreg:$0x2] =	wrdreg s24  }
0xaf: {  	[dreg:$0x3] =	wrdreg $0x9  }
0xb0: {  	_ =	task.clear_ibuf [dreg:s6], $0x4FFFF;
	_ =	strace $0x90000046  }
0xb1: {  	s29 =	simm.s32 $0x9;
	_ =	strace $0x80000048  }
0xb2: {  	_ =	swait.ge [sflag:s29], $0x1  }
0xb3: {  	[sflag:s29] =	ssyncadd.s32 $0xFFFFFFFF  }
0xb4: {  	_ =	strace $0x90000048  }
0xb5: {  	_ =	sfence  }
0xb6: {  	s30 =	sld [smem:$0x0];
	_ =	sdelay $0x2  }
0xb7: {  	s31 =	sshll.u32 s1, $0xD;
	s1 =	sshrl.u32 s1, $0x2  }
0xb8: {  	s3 =	sand.u32 $0x4000, s31;
	s1 =	sadd.s32 s1, s30  }
0xb9: {  	s0 =	sor.u32 s3, s0;
	s1 =	sshll.u32 s1, $0x11  }
0xba: {  	s0 =	sor.u32 s1, s0  }
0xbb: {  	s0 =	sadd.s32 $0x8F2B, s0  }
0xbc: {  	[sflag:s0] =	ssyncadd.remote.s32 $0x1  }
0xbd: {  	_ =	sfence.sel $0xFFFF  }
0xbe: {  	[dreg:$0x0] =	wrdreg $0xFFFFFFFF;
	(pc) =	sbr.abs _section_cstart, $3  }
0xbf: {  	[dreg:$0x1] =	wrdreg $0xFFFFFFFF  }
0xc0: {  	_ =	task.clear_ibuf [dreg:s6], $0x2FFFF;
	_ =	strace $0x9FFFFFFF  }
0xc1: {  	(tm) =	ssettm $0x7FFFFFFF  }
tec
execute0_lowered:
.L_overlay_start_1:
0x0: {  	(tag) =	ssettag $0x1  }
0x1: {  	s1 =	srdreg.scid  }
0x2: {  	s2 =	simm.s32 $0x0;
	s4 =	sand.u32 $0x1, s1;
	s1 =	rddreg [dreg:$0x0]  }
0x3: {  	s8 =	simm.s32 $0x900;
	[smem:$0x7FF] =	sst s2  }
0x4: {  	s9 =	simm.s32 $0xD00;
	_ =	strace $0x80000047;
	[dreg:$0x5] =	wrdreg s8  }
0x5: {  	s10 =	simm.s32 $0x1500;
	[dreg:$0x6] =	wrdreg s9  }
0x6: {  	s11 =	simm.s32 $0x1900;
	[dreg:$0x7] =	wrdreg s10  }
0x7: {  	s12 =	simm.s32 $0x2100;
	[dreg:$0x8] =	wrdreg s11  }
0x8: {  	s13 =	simm.s32 $0x2500;
	[dreg:$0x9] =	wrdreg s12  }
0x9: {  	s14 =	simm.s32 $0x2D00;
	[dreg:$0xa] =	wrdreg s13  }
0xa: {  	s15 =	simm.s32 $0x3100;
	[dreg:$0xb] =	wrdreg s14  }
0xb: {  	s16 =	simm.s32 $0x3900;
	[dreg:$0xc] =	wrdreg s15  }
0xc: {  	s17 =	simm.s32 $0x3D00;
	[dreg:$0xd] =	wrdreg s16  }
0xd: {  	s18 =	simm.s32 $0x4500;
	[dreg:$0xe] =	wrdreg s17  }
0xe: {  	s19 =	simm.s32 $0x4900;
	[dreg:$0xf] =	wrdreg s18  }
0xf: {  	s20 =	simm.s32 $0x5100;
	[dreg:$0x10] =	wrdreg s19  }
0x10: {  	s21 =	simm.s32 $0x5500;
	[dreg:$0x11] =	wrdreg s20  }
0x11: {  	s22 =	simm.s32 $0x5D00;
	[dreg:$0x12] =	wrdreg s21  }
0x12: {  	s23 =	simm.s32 $0x6100;
	[dreg:$0x13] =	wrdreg s22  }
0x13: {  	s24 =	simm.s32 $0x6900;
	[dreg:$0x14] =	wrdreg s23  }
0x14: {  	s25 =	simm.s32 $0x6D00;
	[dreg:$0x15] =	wrdreg s24  }
0x15: {  	s0 =	stileid.u32;
	s26 =	simm.s32 $0x7500;
	[dreg:$0x16] =	wrdreg s25  }
0x16: {  	s3 =	sshll.u32 s0, $0x6;
	s0 =	simm.s32 $0x7900;
	[dreg:$0x17] =	wrdreg s26  }
0x17: {  	[dreg:$0x18] =	wrdreg s0;
	s8 =	simm.s32 $0x9100  }
0x18: {  	s9 =	simm.s32 $0x9900;
	[dreg:$0x1c] =	wrdreg s8  }
0x19: {  	s10 =	simm.s32 $0x9D00;
	[dreg:$0x1d] =	wrdreg s9  }
0x1a: {  	s11 =	simm.s32 $0xA500;
	[dreg:$0x1e] =	wrdreg s10  }
0x1b: {  	s12 =	simm.s32 $0xA900;
	[dreg:$0x1f] =	wrdreg s11  }
0x1c: {  	s13 =	simm.s32 $0xB100;
	[smem:$0x7F0] =	sst s12  }
0x1d: {  	s14 =	simm.s32 $0xB500;
	[smem:$0x7F1] =	sst s13  }
0x1e: {  	s15 =	simm.s32 $0xBD00;
	[smem:$0x7F2] =	sst s14  }
0x1f: {  	s16 =	simm.s32 $0xC900;
	[smem:$0x7F3] =	sst s15  }
0x20: {  	s28 =	simm.s32 $0x16900;
	s17 =	simm.s32 $0xCD00;
	[smem:$0x7F4] =	sst s16  }
0x21: {  	s29 =	simm.s32 $0x17100;
	s18 =	simm.s32 $0xD500;
	[smem:$0x7F5] =	sst s17  }
0x22: {  	s30 =	simm.s32 $0x17500;
	s20 =	simm.s32 $0xD900;
	[smem:$0x7F6] =	sst s18  }
0x23: {  	s31 =	simm.s32 $0x17D00;
	s21 =	simm.s32 $0xE100;
	[smem:$0x7F7] =	sst s20  }
0x24: {  	s5 =	sshll.u32 s4, $0x5;
	s22 =	simm.s32 $0xE500;
	[smem:$0x7F8] =	sst s21  }
0x25: {  	s7 =	sadd.s32 $0x400, s1;
	s23 =	simm.s32 $0xED00;
	[smem:$0x7F9] =	sst s22  }
0x26: {  	s4 =	ssub.s32 $0x2, s4;
	s24 =	simm.s32 $0xF100;
	[smem:$0x7FA] =	sst s23  }
0x27: {  	s25 =	simm.s32 $0xF900;
	s26 =	simm.s32 $0xFD00;
	[smem:$0x7FB] =	sst s24  }
0x28: {  	s3 =	sor.u32 s5, s3;
	s19 =	sshrl.u32 s4, $0x1;
	[smem:$0x7FC] =	sst s25  }
0x29: {  	s8 =	simm.s32 $0xC100;
	s9 =	simm.s32 $0x1;
	[smem:$0x7FD] =	sst s26  }
0x2a: {  	s11 =	simm.s32 $0x10900;
	s12 =	simm.s32 $0x11100;
	s13 =	simm.s32 $0x11500  }
0x2b: {  	s14 =	simm.s32 $0x11D00;
	s15 =	simm.s32 $0x12100;
	s16 =	simm.s32 $0x12900  }
0x2c: {  	s17 =	simm.s32 $0x12D00;
	s18 =	simm.s32 $0x13500;
	s20 =	simm.s32 $0x14100  }
0x2d: {  	s21 =	simm.s32 $0x14500;
	s22 =	simm.s32 $0x14D00;
	s5 =	smul.u32 $0xC00, s3  }
0x2e: {  	s23 =	simm.s32 $0x15100;
	s24 =	simm.s32 $0x15900;
	s6 =	smul.u32 $0x180, s3  }
0x2f: {  	s25 =	simm.s32 $0x15D00;
	s26 =	simm.s32 $0x16500;
	s3 =	sadd.s32 s1, s3  }
0x30: {  	[dreg:$0x2] =	wrdreg s3;
	s5 =	sshrl.u32 s5, $0x3;
	s6 =	sadd.s32 s7, s6  }
0x31: {  	s3 =	sadd.s32 $0x60400, s1;
	s5 =	sadd.s32 s7, s5;
	[dreg:$0x3] =	wrdreg s6  }
0x32: {  	s6 =	simm.s32 $0x8500;
	s7 =	sadd.s32 $0x1800, s5;
	s5 =	simm.s32 $0x8100  }
0x33: {  	[dreg:$0x1a] =	wrdreg s6;
	s6 =	ssub.s32 s4, s19;
	s4 =	sadd.s32 $0x60500, s1  }
0x34: {  	v2 =	vlaneseq.u32;
	s19 =	simm.s32 $0x13900;
	s1 =	simm.s32 $0x2;
	[dreg:$0x4] =	wrdreg s7  }
0x35: {  	vm0 =	vmmov $0xffff;
	vm1 =	vmmov $0xff;
	v1 =	vshrl.u32 v2, $0x3;
	[dreg:$0x19] =	wrdreg s5;
	s7 =	simm.s32 $0x8D00;
	s5 =	smax.u32 s6, $0x1  }
0x36: {  	v0 =	vand.u32 $0x7, v2;
	v2 =	vor.u32 $0x8, v2;
	v1 =	vmul.u32 $0x8, v1;
	s6 =	simm.s32 $0x3;
	[dreg:$0x1b] =	wrdreg s7;
	s7 =	simm.s32 $0x100  }
.LBB2_1:
0x37: {  	s0 =	rddreg [dreg:$0x2]  }
0x38: {  	[tilespmem:s2], [sflag:$0x3] =	stream.linear.gather [hbm4b:s0+s2], $0x100, $0x38;
	[tilespmem:$0x18100] =	vst v63  }
0x39: {  	_ =	swait.ge [sflag:s6], $0x100  }
0x3a: {  	[sflag:s6] =	ssyncset.done $0x0  }
0x3b: {  	s0 =	rddreg [dreg:$0x3];
	[sflag:s6] =	ssyncadd.s32 $0xFFFFFF00  }
0x3c: {  	[tilespmem:s7], [sflag:$0x1] =	stream.linear.gather [hbm4b:s0+s2], $0xC000, $0x38;
	[tilespmem:$0x18100] =	vst v63  }
0x3d: {  	s10 =	rddreg [dreg:$0x4]  }
0x3e: {  	[tilespmem:s8], [sflag:$0x1] =	stream.linear.gather [hbm4b:s10+s2], $0xC000, $0x38;
	[tilespmem:$0x18100] =	vst v63  }
0x3f: {  	_ =	swait.ge [sflag:s9], $0xC000  }
0x40: {  	[sflag:s9] =	ssyncset.done $0x0  }
0x41: {  	[sflag:s9] =	ssyncadd.s32 $0xFFFF4000  }
0x42: {  	v3 =	vld [tilespmem:$0x0];
	_ =	sdelay $0x4  }
0x43: {  	v4 =	vshrl.u32 v3, $0x3  }
0x44: {  	v4 =	vmul.u32 $0x18, v4  }
0x45: {  	v3 =	vand.u32 $0x7, v3  }
0x46: {  	v3 =	vor.u32 v3, v4  }
0x47: {  	v4 =	vperm.xlane v3, v0;
	_ =	sdelay $0x1  }
0x48: {  	v4 =	vadd.s32 v1, v4;
	_ =	sdelay $0x1  }
0x49: {  	v3 =	vperm.xlane v3, v2;
	_ =	sdelay $0x1  }
0x4a: {  	v3 =	vadd.s32 v1, v3  }
0x4b: {  	[hbm4b:s3+s2] =	stream.indirect_vreg.scatter [tilespmem:s7], [sflag:$0x2], $0x80, v4, vm0, $0xb8;
	[tilespmem:$0x18100] =	vst v63  }
0x4c: {  	s0 =	rddreg [dreg:$0x5]  }
0x4d: {  	[hbm4b:s4+s2] =	stream.indirect_vreg.scatter [tilespmem:s0], [sflag:$0x2], $0x80, v4, vm1, $0xb8;
	[tilespmem:$0x18100] =	vst v63  }
0x4e: {  	s10 =	rddreg [dreg:$0x6]  }
0x4f: {  	[hbm4b:s3+s2] =	stream.indirect_vreg.scatter [tilespmem:s10], [sflag:$0x2], $0x80, v3, vm0, $0xb8;
	[tilespmem:$0x18100] =	vst v63  }
0x50: {  	s0 =	rddreg [dreg:$0x7]  }
0x51: {  	[hbm4b:s4+s2] =	stream.indirect_vreg.scatter [tilespmem:s0], [sflag:$0x2], $0x80, v3, vm1, $0xb8;
	[tilespmem:$0x18100] =	vst v63  }
0x52: {  	v3 =	vld [tilespmem:$0x10];
	_ =	sdelay $0x4  }
0x53: {  	v49 =	vshrl.u32 v3, $0x3  }
0x54: {  	v4 =	vmul.u32 $0x18, v49  }
0x55: {  	v3 =	vand.u32 $0x7, v3  }
0x56: {  	v3 =	vor.u32 v3, v4  }
0x57: {  	v4 =	vperm.xlane v3, v0;
	_ =	sdelay $0x1  }
0x58: {  	v4 =	vadd.s32 v1, v4;
	_ =	sdelay $0x1  }
0x59: {  	v3 =	vperm.xlane v3, v2;
	_ =	sdelay $0x1  }
0x5a: {  	s0 =	rddreg [dreg:$0x8];
	v3 =	vadd.s32 v1, v3  }
0x5b: {  	[hbm4b:s3+s2] =	stream.indirect_vreg.scatter [tilespmem:s0], [sflag:$0x2], $0x80, v4, vm0, $0xb8;
	[tilespmem:$0x18100] =	vst v63  }
0x5c: {  	s10 =	rddreg [dreg:$0x9]  }
0x5d: {  	[hbm4b:s4+s2] =	stream.indirect_vreg.scatter [tilespmem:s10], [sflag:$0x2], $0x80, v4, vm1, $0xb8;
	[tilespmem:$0x18100] =	vst v63  }
0x5e: {  	s0 =	rddreg [dreg:$0xa]  }
0x5f: {  	[hbm4b:s3+s2] =	stream.indirect_vreg.scatter [tilespmem:s0], [sflag:$0x2], $0x80, v3, vm0, $0xb8;
	[tilespmem:$0x18100] =	vst v63  }
0x60: {  	s10 =	rddreg [dreg:$0xb]  }
0x61: {  	[hbm4b:s4+s2] =	stream.indirect_vreg.scatter [tilespmem:s10], [sflag:$0x2], $0x80, v3, vm1, $0xb8;
	[tilespmem:$0x18100] =	vst v63  }
0x62: {  	v3 =	vld [tilespmem:$0x20];
	_ =	sdelay $0x4  }
0x63: {  	v50 =	vshrl.u32 v3, $0x3  }
0x64: {  	v4 =	vmul.u32 $0x18, v50  }
0x65: {  	v3 =	vand.u32 $0x7, v3  }
0x66: {  	v3 =	vor.u32 v3, v4  }
0x67: {  	v4 =	vperm.xlane v3, v0;
	_ =	sdelay $0x1  }
0x68: {  	v4 =	vadd.s32 v1, v4;
	_ =	sdelay $0x1  }
0x69: {  	v3 =	vperm.xlane v3, v2;
	_ =	sdelay $0x1  }
0x6a: {  	s0 =	rddreg [dreg:$0xc];
	v3 =	vadd.s32 v1, v3  }
0x6b: {  	[hbm4b:s3+s2] =	stream.indirect_vreg.scatter [tilespmem:s0], [sflag:$0x2], $0x80, v4, vm0, $0xb8;
	[tilespmem:$0x18100] =	vst v63  }
0x6c: {  	s10 =	rddreg [dreg:$0xd]  }
0x6d: {  	[hbm4b:s4+s2] =	stream.indirect_vreg.scatter [tilespmem:s10], [sflag:$0x2], $0x80, v4, vm1, $0xb8;
	[tilespmem:$0x18100] =	vst v63  }
0x6e: {  	s0 =	rddreg [dreg:$0xe]  }
0x6f: {  	[hbm4b:s3+s2] =	stream.indirect_vreg.scatter [tilespmem:s0], [sflag:$0x2], $0x80, v3, vm0, $0xb8;
	[tilespmem:$0x18100] =	vst v63  }
0x70: {  	s10 =	rddreg [dreg:$0xf]  }
0x71: {  	[hbm4b:s4+s2] =	stream.indirect_vreg.scatter [tilespmem:s10], [sflag:$0x2], $0x80, v3, vm1, $0xb8;
	[tilespmem:$0x18100] =	vst v63  }
0x72: {  	v3 =	vld [tilespmem:$0x30];
	_ =	sdelay $0x4  }
0x73: {  	v51 =	vshrl.u32 v3, $0x3  }
0x74: {  	v4 =	vmul.u32 $0x18, v51  }
0x75: {  	v3 =	vand.u32 $0x7, v3  }
0x76: {  	v3 =	vor.u32 v3, v4  }
0x77: {  	v4 =	vperm.xlane v3, v0;
	_ =	sdelay $0x1  }
0x78: {  	v4 =	vadd.s32 v1, v4;
	_ =	sdelay $0x1  }
0x79: {  	v3 =	vperm.xlane v3, v2;
	_ =	sdelay $0x1  }
0x7a: {  	s0 =	rddreg [dreg:$0x10];
	v3 =	vadd.s32 v1, v3  }
0x7b: {  	[hbm4b:s3+s2] =	stream.indirect_vreg.scatter [tilespmem:s0], [sflag:$0x2], $0x80, v4, vm0, $0xb8;
	[tilespmem:$0x18100] =	vst v63  }
0x7c: {  	s10 =	rddreg [dreg:$0x11]  }
0x7d: {  	[hbm4b:s4+s2] =	stream.indirect_vreg.scatter [tilespmem:s10], [sflag:$0x2], $0x80, v4, vm1, $0xb8;
	[tilespmem:$0x18100] =	vst v63  }
0x7e: {  	s0 =	rddreg [dreg:$0x12]  }
0x7f: {  	[hbm4b:s3+s2] =	stream.indirect_vreg.scatter [tilespmem:s0], [sflag:$0x2], $0x80, v3, vm0, $0xb8;
	[tilespmem:$0x18100] =	vst v63  }
0x80: {  	s10 =	rddreg [dreg:$0x13]  }
0x81: {  	[hbm4b:s4+s2] =	stream.indirect_vreg.scatter [tilespmem:s10], [sflag:$0x2], $0x80, v3, vm1, $0xb8;
	[tilespmem:$0x18100] =	vst v63  }
0x82: {  	v3 =	vld [tilespmem:$0x40];
	_ =	sdelay $0x4  }
0x83: {  	v52 =	vshrl.u32 v3, $0x3  }
0x84: {  	v4 =	vmul.u32 $0x18, v52  }
0x85: {  	v3 =	vand.u32 $0x7, v3  }
0x86: {  	v3 =	vor.u32 v3, v4  }
0x87: {  	v4 =	vperm.xlane v3, v0;
	_ =	sdelay $0x1  }
0x88: {  	v4 =	vadd.s32 v1, v4;
	_ =	sdelay $0x1  }
0x89: {  	v3 =	vperm.xlane v3, v2;
	_ =	sdelay $0x1  }
0x8a: {  	s0 =	rddreg [dreg:$0x14];
	v3 =	vadd.s32 v1, v3  }
0x8b: {  	[hbm4b:s3+s2] =	stream.indirect_vreg.scatter [tilespmem:s0], [sflag:$0x2], $0x80, v4, vm0, $0xb8;
	[tilespmem:$0x18100] =	vst v63  }
0x8c: {  	s10 =	rddreg [dreg:$0x15]  }
0x8d: {  	[hbm4b:s4+s2] =	stream.indirect_vreg.scatter [tilespmem:s10], [sflag:$0x2], $0x80, v4, vm1, $0xb8;
	[tilespmem:$0x18100] =	vst v63  }
0x8e: {  	s0 =	rddreg [dreg:$0x16]  }
0x8f: {  	[hbm4b:s3+s2] =	stream.indirect_vreg.scatter [tilespmem:s0], [sflag:$0x2], $0x80, v3, vm0, $0xb8;
	[tilespmem:$0x18100] =	vst v63  }
0x90: {  	s10 =	rddreg [dreg:$0x17]  }
0x91: {  	[hbm4b:s4+s2] =	stream.indirect_vreg.scatter [tilespmem:s10], [sflag:$0x2], $0x80, v3, vm1, $0xb8;
	[tilespmem:$0x18100] =	vst v63  }
0x92: {  	v3 =	vld [tilespmem:$0x50];
	_ =	sdelay $0x4  }
0x93: {  	v53 =	vshrl.u32 v3, $0x3  }
0x94: {  	v4 =	vmul.u32 $0x18, v53  }
0x95: {  	v3 =	vand.u32 $0x7, v3  }
0x96: {  	v3 =	vor.u32 v3, v4  }
0x97: {  	v4 =	vperm.xlane v3, v0;
	_ =	sdelay $0x1  }
0x98: {  	v4 =	vadd.s32 v1, v4;
	_ =	sdelay $0x1  }
0x99: {  	v3 =	vperm.xlane v3, v2;
	_ =	sdelay $0x1  }
0x9a: {  	s0 =	rddreg [dreg:$0x18];
	v3 =	vadd.s32 v1, v3  }
0x9b: {  	[hbm4b:s3+s2] =	stream.indirect_vreg.scatter [tilespmem:s0], [sflag:$0x2], $0x80, v4, vm0, $0xb8;
	[tilespmem:$0x18100] =	vst v63  }
0x9c: {  	s10 =	rddreg [dreg:$0x19]  }
0x9d: {  	[hbm4b:s4+s2] =	stream.indirect_vreg.scatter [tilespmem:s10], [sflag:$0x2], $0x80, v4, vm1, $0xb8;
	[tilespmem:$0x18100] =	vst v63  }
0x9e: {  	s0 =	rddreg [dreg:$0x1a]  }
0x9f: {  	[hbm4b:s3+s2] =	stream.indirect_vreg.scatter [tilespmem:s0], [sflag:$0x2], $0x80, v3, vm0, $0xb8;
	[tilespmem:$0x18100] =	vst v63  }
0xa0: {  	s10 =	rddreg [dreg:$0x1b]  }
0xa1: {  	[hbm4b:s4+s2] =	stream.indirect_vreg.scatter [tilespmem:s10], [sflag:$0x2], $0x80, v3, vm1, $0xb8;
	[tilespmem:$0x18100] =	vst v63  }
0xa2: {  	v3 =	vld [tilespmem:$0x60];
	_ =	sdelay $0x4  }
0xa3: {  	v54 =	vshrl.u32 v3, $0x3  }
0xa4: {  	v4 =	vmul.u32 $0x18, v54  }
0xa5: {  	v3 =	vand.u32 $0x7, v3  }
0xa6: {  	v3 =	vor.u32 v3, v4  }
0xa7: {  	v4 =	vperm.xlane v3, v0;
	_ =	sdelay $0x1  }
0xa8: {  	v4 =	vadd.s32 v1, v4;
	_ =	sdelay $0x1  }
0xa9: {  	v3 =	vperm.xlane v3, v2;
	_ =	sdelay $0x1  }
0xaa: {  	s0 =	rddreg [dreg:$0x1c];
	v3 =	vadd.s32 v1, v3  }
0xab: {  	[hbm4b:s3+s2] =	stream.indirect_vreg.scatter [tilespmem:s0], [sflag:$0x2], $0x80, v4, vm0, $0xb8;
	[tilespmem:$0x18100] =	vst v63  }
0xac: {  	s10 =	rddreg [dreg:$0x1d]  }
0xad: {  	[hbm4b:s4+s2] =	stream.indirect_vreg.scatter [tilespmem:s10], [sflag:$0x2], $0x80, v4, vm1, $0xb8;
	[tilespmem:$0x18100] =	vst v63  }
0xae: {  	s0 =	rddreg [dreg:$0x1e]  }
0xaf: {  	[hbm4b:s3+s2] =	stream.indirect_vreg.scatter [tilespmem:s0], [sflag:$0x2], $0x80, v3, vm0, $0xb8;
	[tilespmem:$0x18100] =	vst v63  }
0xb0: {  	s10 =	rddreg [dreg:$0x1f]  }
0xb1: {  	[hbm4b:s4+s2] =	stream.indirect_vreg.scatter [tilespmem:s10], [sflag:$0x2], $0x80, v3, vm1, $0xb8;
	[tilespmem:$0x18100] =	vst v63  }
0xb2: {  	v3 =	vld [tilespmem:$0x70];
	_ =	sdelay $0x4  }
0xb3: {  	v55 =	vshrl.u32 v3, $0x3  }
0xb4: {  	v4 =	vmul.u32 $0x18, v55  }
0xb5: {  	v3 =	vand.u32 $0x7, v3  }
0xb6: {  	v3 =	vor.u32 v3, v4  }
0xb7: {  	v4 =	vperm.xlane v3, v0;
	_ =	sdelay $0x1  }
0xb8: {  	v4 =	vadd.s32 v1, v4;
	_ =	sdelay $0x1  }
0xb9: {  	s0 =	sld [smem:$0x7F0];
	v3 =	vperm.xlane v3, v2;
	_ =	sdelay $0x1  }
0xba: {  	s10 =	sld [smem:$0x7F1];
	v3 =	vadd.s32 v1, v3  }
0xbb: {  	[hbm4b:s3+s2] =	stream.indirect_vreg.scatter [tilespmem:s0], [sflag:$0x2], $0x80, v4, vm0, $0xb8;
	[tilespmem:$0x18100] =	vst v63  }
0xbc: {  	s0 =	sld [smem:$0x7F2]  }
0xbd: {  	[hbm4b:s4+s2] =	stream.indirect_vreg.scatter [tilespmem:s10], [sflag:$0x2], $0x80, v4, vm1, $0xb8;
	[tilespmem:$0x18100] =	vst v63  }
0xbe: {  	s10 =	sld [smem:$0x7F3]  }
0xbf: {  	[hbm4b:s3+s2] =	stream.indirect_vreg.scatter [tilespmem:s0], [sflag:$0x2], $0x80, v3, vm0, $0xb8;
	[tilespmem:$0x18100] =	vst v63  }
0xc0: {  	_ = 	snop  }
0xc1: {  	[hbm4b:s4+s2] =	stream.indirect_vreg.scatter [tilespmem:s10], [sflag:$0x2], $0x80, v3, vm1, $0xb8;
	[tilespmem:$0x18100] =	vst v63  }
0xc2: {  	_ =	swait.ge [sflag:s9], $0xC000  }
0xc3: {  	[sflag:s9] =	ssyncset.done $0x0  }
0xc4: {  	[sflag:s9] =	ssyncadd.s32 $0xFFFF4000  }
0xc5: {  	v3 =	vld [tilespmem:$0x80];
	_ =	sdelay $0x4  }
0xc6: {  	v56 =	vshrl.u32 v3, $0x3  }
0xc7: {  	v4 =	vmul.u32 $0x18, v56  }
0xc8: {  	v3 =	vand.u32 $0x7, v3  }
0xc9: {  	v3 =	vor.u32 v3, v4  }
0xca: {  	v4 =	vperm.xlane v3, v0;
	_ =	sdelay $0x1  }
0xcb: {  	v4 =	vadd.s32 v1, v4;
	_ =	sdelay $0x1  }
0xcc: {  	v3 =	vperm.xlane v3, v2;
	_ =	sdelay $0x1  }
0xcd: {  	s0 =	sld [smem:$0x7F4];
	v3 =	vadd.s32 v1, v3  }
0xce: {  	[hbm4b:s3+s2] =	stream.indirect_vreg.scatter [tilespmem:s8], [sflag:$0x2], $0x80, v4, vm0, $0xb8;
	[tilespmem:$0x18100] =	vst v63  }
0xcf: {  	s10 =	sld [smem:$0x7F5]  }
0xd0: {  	[hbm4b:s4+s2] =	stream.indirect_vreg.scatter [tilespmem:s0], [sflag:$0x2], $0x80, v4, vm1, $0xb8;
	[tilespmem:$0x18100] =	vst v63  }
0xd1: {  	s0 =	sld [smem:$0x7F6]  }
0xd2: {  	[hbm4b:s3+s2] =	stream.indirect_vreg.scatter [tilespmem:s10], [sflag:$0x2], $0x80, v3, vm0, $0xb8;
	[tilespmem:$0x18100] =	vst v63  }
0xd3: {  	_ = 	snop  }
0xd4: {  	[hbm4b:s4+s2] =	stream.indirect_vreg.scatter [tilespmem:s0], [sflag:$0x2], $0x80, v3, vm1, $0xb8;
	[tilespmem:$0x18100] =	vst v63  }
0xd5: {  	v3 =	vld [tilespmem:$0x90];
	_ =	sdelay $0x4  }
0xd6: {  	v57 =	vshrl.u32 v3, $0x3  }
0xd7: {  	v4 =	vmul.u32 $0x18, v57  }
0xd8: {  	v3 =	vand.u32 $0x7, v3  }
0xd9: {  	v3 =	vor.u32 v3, v4  }
0xda: {  	v4 =	vperm.xlane v3, v0;
	_ =	sdelay $0x1  }
0xdb: {  	v4 =	vadd.s32 v1, v4;
	_ =	sdelay $0x1  }
0xdc: {  	s0 =	sld [smem:$0x7F7];
	v3 =	vperm.xlane v3, v2;
	_ =	sdelay $0x1  }
0xdd: {  	s10 =	sld [smem:$0x7F8];
	v3 =	vadd.s32 v1, v3  }
0xde: {  	[hbm4b:s3+s2] =	stream.indirect_vreg.scatter [tilespmem:s0], [sflag:$0x2], $0x80, v4, vm0, $0xb8;
	[tilespmem:$0x18100] =	vst v63  }
0xdf: {  	s0 =	sld [smem:$0x7F9]  }
0xe0: {  	[hbm4b:s4+s2] =	stream.indirect_vreg.scatter [tilespmem:s10], [sflag:$0x2], $0x80, v4, vm1, $0xb8;
	[tilespmem:$0x18100] =	vst v63  }
0xe1: {  	s10 =	sld [smem:$0x7FA]  }
0xe2: {  	[hbm4b:s3+s2] =	stream.indirect_vreg.scatter [tilespmem:s0], [sflag:$0x2], $0x80, v3, vm0, $0xb8;
	[tilespmem:$0x18100] =	vst v63  }
0xe3: {  	_ = 	snop  }
0xe4: {  	[hbm4b:s4+s2] =	stream.indirect_vreg.scatter [tilespmem:s10], [sflag:$0x2], $0x80, v3, vm1, $0xb8;
	[tilespmem:$0x18100] =	vst v63  }
0xe5: {  	v3 =	vld [tilespmem:$0xA0];
	_ =	sdelay $0x4  }
0xe6: {  	v58 =	vshrl.u32 v3, $0x3  }
0xe7: {  	v4 =	vmul.u32 $0x18, v58  }
0xe8: {  	v3 =	vand.u32 $0x7, v3  }
0xe9: {  	v3 =	vor.u32 v3, v4  }
0xea: {  	v4 =	vperm.xlane v3, v0;
	_ =	sdelay $0x1  }
0xeb: {  	v4 =	vadd.s32 v1, v4;
	_ =	sdelay $0x1  }
0xec: {  	s0 =	sld [smem:$0x7FB];
	v3 =	vperm.xlane v3, v2;
	_ =	sdelay $0x1  }
0xed: {  	s10 =	sld [smem:$0x7FC];
	v3 =	vadd.s32 v1, v3  }
0xee: {  	[hbm4b:s3+s2] =	stream.indirect_vreg.scatter [tilespmem:s0], [sflag:$0x2], $0x80, v4, vm0, $0xb8;
	[tilespmem:$0x18100] =	vst v63  }
0xef: {  	s0 =	sld [smem:$0x7FD]  }
0xf0: {  	[hbm4b:s4+s2] =	stream.indirect_vreg.scatter [tilespmem:s10], [sflag:$0x2], $0x80, v4, vm1, $0xb8;
	[tilespmem:$0x18100] =	vst v63  }
0xf1: {  	_ = 	snop  }
0xf2: {  	[hbm4b:s3+s2] =	stream.indirect_vreg.scatter [tilespmem:s0], [sflag:$0x2], $0x80, v3, vm0, $0xb8;
	[tilespmem:$0x18100] =	vst v63  }
0xf3: {  	s10 =	simm.s32 $0x10500  }
0xf4: {  	[hbm4b:s4+s2] =	stream.indirect_vreg.scatter [tilespmem:s10], [sflag:$0x2], $0x80, v3, vm1, $0xb8;
	[tilespmem:$0x18100] =	vst v63  }
0xf5: {  	v3 =	vld [tilespmem:$0xB0];
	_ =	sdelay $0x4  }
0xf6: {  	v59 =	vshrl.u32 v3, $0x3  }
0xf7: {  	v4 =	vmul.u32 $0x18, v59  }
0xf8: {  	v3 =	vand.u32 $0x7, v3  }
0xf9: {  	v3 =	vor.u32 v3, v4  }
0xfa: {  	v4 =	vperm.xlane v3, v0;
	_ =	sdelay $0x1  }
0xfb: {  	v4 =	vadd.s32 v1, v4;
	_ =	sdelay $0x1  }
0xfc: {  	v3 =	vperm.xlane v3, v2;
	_ =	sdelay $0x1  }
0xfd: {  	v3 =	vadd.s32 v1, v3  }
0xfe: {  	[hbm4b:s3+s2] =	stream.indirect_vreg.scatter [tilespmem:s11], [sflag:$0x2], $0x80, v4, vm0, $0xb8;
	[tilespmem:$0x18100] =	vst v63  }
0xff: {  	_ = 	snop  }
0x100: {  	[hbm4b:s4+s2] =	stream.indirect_vreg.scatter [tilespmem:s12], [sflag:$0x2], $0x80, v4, vm1, $0xb8;
	[tilespmem:$0x18100] =	vst v63  }
0x101: {  	_ = 	snop  }
0x102: {  	[hbm4b:s3+s2] =	stream.indirect_vreg.scatter [tilespmem:s13], [sflag:$0x2], $0x80, v3, vm0, $0xb8;
	[tilespmem:$0x18100] =	vst v63  }
0x103: {  	_ = 	snop  }
0x104: {  	[hbm4b:s4+s2] =	stream.indirect_vreg.scatter [tilespmem:s14], [sflag:$0x2], $0x80, v3, vm1, $0xb8;
	[tilespmem:$0x18100] =	vst v63  }
0x105: {  	v3 =	vld [tilespmem:$0xC0];
	_ =	sdelay $0x4  }
0x106: {  	v60 =	vshrl.u32 v3, $0x3  }
0x107: {  	v4 =	vmul.u32 $0x18, v60  }
0x108: {  	v3 =	vand.u32 $0x7, v3  }
0x109: {  	v3 =	vor.u32 v3, v4  }
0x10a: {  	v4 =	vperm.xlane v3, v0;
	_ =	sdelay $0x1  }
0x10b: {  	v4 =	vadd.s32 v1, v4;
	_ =	sdelay $0x1  }
0x10c: {  	v3 =	vperm.xlane v3, v2;
	_ =	sdelay $0x1  }
0x10d: {  	v3 =	vadd.s32 v1, v3  }
0x10e: {  	[hbm4b:s3+s2] =	stream.indirect_vreg.scatter [tilespmem:s15], [sflag:$0x2], $0x80, v4, vm0, $0xb8;
	[tilespmem:$0x18100] =	vst v63  }
0x10f: {  	_ = 	snop  }
0x110: {  	[hbm4b:s4+s2] =	stream.indirect_vreg.scatter [tilespmem:s16], [sflag:$0x2], $0x80, v4, vm1, $0xb8;
	[tilespmem:$0x18100] =	vst v63  }
0x111: {  	_ = 	snop  }
0x112: {  	[hbm4b:s3+s2] =	stream.indirect_vreg.scatter [tilespmem:s17], [sflag:$0x2], $0x80, v3, vm0, $0xb8;
	[tilespmem:$0x18100] =	vst v63  }
0x113: {  	_ = 	snop  }
0x114: {  	[hbm4b:s4+s2] =	stream.indirect_vreg.scatter [tilespmem:s18], [sflag:$0x2], $0x80, v3, vm1, $0xb8;
	[tilespmem:$0x18100] =	vst v63  }
0x115: {  	v3 =	vld [tilespmem:$0xD0];
	_ =	sdelay $0x4  }
0x116: {  	v61 =	vshrl.u32 v3, $0x3  }
0x117: {  	v4 =	vmul.u32 $0x18, v61  }
0x118: {  	v3 =	vand.u32 $0x7, v3  }
0x119: {  	v3 =	vor.u32 v3, v4  }
0x11a: {  	v4 =	vperm.xlane v3, v0;
	_ =	sdelay $0x1  }
0x11b: {  	v4 =	vadd.s32 v1, v4;
	_ =	sdelay $0x1  }
0x11c: {  	v3 =	vperm.xlane v3, v2;
	_ =	sdelay $0x1  }
0x11d: {  	v3 =	vadd.s32 v1, v3  }
0x11e: {  	[hbm4b:s3+s2] =	stream.indirect_vreg.scatter [tilespmem:s19], [sflag:$0x2], $0x80, v4, vm0, $0xb8;
	[tilespmem:$0x18100] =	vst v63  }
0x11f: {  	_ = 	snop  }
0x120: {  	[hbm4b:s4+s2] =	stream.indirect_vreg.scatter [tilespmem:s20], [sflag:$0x2], $0x80, v4, vm1, $0xb8;
	[tilespmem:$0x18100] =	vst v63  }
0x121: {  	_ = 	snop  }
0x122: {  	[hbm4b:s3+s2] =	stream.indirect_vreg.scatter [tilespmem:s21], [sflag:$0x2], $0x80, v3, vm0, $0xb8;
	[tilespmem:$0x18100] =	vst v63  }
0x123: {  	_ = 	snop  }
0x124: {  	[hbm4b:s4+s2] =	stream.indirect_vreg.scatter [tilespmem:s22], [sflag:$0x2], $0x80, v3, vm1, $0xb8;
	[tilespmem:$0x18100] =	vst v63  }
0x125: {  	v3 =	vld [tilespmem:$0xE0];
	_ =	sdelay $0x4  }
0x126: {  	v62 =	vshrl.u32 v3, $0x3  }
0x127: {  	v4 =	vmul.u32 $0x18, v62  }
0x128: {  	v3 =	vand.u32 $0x7, v3  }
0x129: {  	v3 =	vor.u32 v3, v4  }
0x12a: {  	v4 =	vperm.xlane v3, v0;
	_ =	sdelay $0x1  }
0x12b: {  	v4 =	vadd.s32 v1, v4;
	_ =	sdelay $0x1  }
0x12c: {  	v3 =	vperm.xlane v3, v2;
	_ =	sdelay $0x1  }
0x12d: {  	v3 =	vadd.s32 v1, v3  }
0x12e: {  	[hbm4b:s3+s2] =	stream.indirect_vreg.scatter [tilespmem:s23], [sflag:$0x2], $0x80, v4, vm0, $0xb8;
	[tilespmem:$0x18100] =	vst v63  }
0x12f: {  	_ = 	snop  }
0x130: {  	[hbm4b:s4+s2] =	stream.indirect_vreg.scatter [tilespmem:s24], [sflag:$0x2], $0x80, v4, vm1, $0xb8;
	[tilespmem:$0x18100] =	vst v63  }
0x131: {  	_ = 	snop  }
0x132: {  	[hbm4b:s3+s2] =	stream.indirect_vreg.scatter [tilespmem:s25], [sflag:$0x2], $0x80, v3, vm0, $0xb8;
	[tilespmem:$0x18100] =	vst v63  }
0x133: {  	_ = 	snop  }
0x134: {  	[hbm4b:s4+s2] =	stream.indirect_vreg.scatter [tilespmem:s26], [sflag:$0x2], $0x80, v3, vm1, $0xb8;
	[tilespmem:$0x18100] =	vst v63  }
0x135: {  	v3 =	vld [tilespmem:$0xF0];
	_ =	sdelay $0x4  }
0x136: {  	v63 =	vshrl.u32 v3, $0x3  }
0x137: {  	v4 =	vmul.u32 $0x18, v63  }
0x138: {  	v3 =	vand.u32 $0x7, v3  }
0x139: {  	v3 =	vor.u32 v3, v4  }
0x13a: {  	v4 =	vperm.xlane v3, v0;
	_ =	sdelay $0x1  }
0x13b: {  	v4 =	vadd.s32 v1, v4;
	_ =	sdelay $0x1  }
0x13c: {  	v3 =	vperm.xlane v3, v2;
	_ =	sdelay $0x1  }
0x13d: {  	v3 =	vadd.s32 v1, v3  }
0x13e: {  	[hbm4b:s3+s2] =	stream.indirect_vreg.scatter [tilespmem:s28], [sflag:$0x2], $0x80, v4, vm0, $0xb8;
	[tilespmem:$0x18100] =	vst v63  }
0x13f: {  	_ = 	snop  }
0x140: {  	[hbm4b:s4+s2] =	stream.indirect_vreg.scatter [tilespmem:s29], [sflag:$0x2], $0x80, v4, vm1, $0xb8;
	[tilespmem:$0x18100] =	vst v63  }
0x141: {  	_ = 	snop  }
0x142: {  	[hbm4b:s3+s2] =	stream.indirect_vreg.scatter [tilespmem:s30], [sflag:$0x2], $0x80, v3, vm0, $0xb8;
	[tilespmem:$0x18100] =	vst v63  }
0x143: {  	_ = 	snop  }
0x144: {  	[hbm4b:s4+s2] =	stream.indirect_vreg.scatter [tilespmem:s31], [sflag:$0x2], $0x80, v3, vm1, $0xb8;
	[tilespmem:$0x18100] =	vst v63  }
0x145: {  	p0 =	sne.s32 s5, $0x1;
	_ =	swait.ge [sflag:s1], $0xC000  }
.Ltmp0:
0x146: {  	[sflag:s1] =	ssyncset.done $0x0;
	(pc) =	sbr.rel @p0 .LBB2_1-.Ltmp0, $4  }
0x147: {  	[sflag:s1] =	ssyncadd.s32 $0xFFFF4000  }
0x148: {  	_ =	swait.ge [sflag:s1], $0xC000  }
0x149: {  	[sflag:s1] =	ssyncset.done $0x0  }
0x14a: {  	s5 =	sadd.s32 $0xFFFFFFFF, s5;
	[sflag:s1] =	ssyncadd.s32 $0xFFFF4000  }
0x14b: {  	_ =	sfence.sel $0x180000  }
0x14c: {  	[bflag:$0x0] =	sbarrier.arrive $0xFFFF  }
0x14d: {  	_ =	strace $0x90000047  }
0x14e: {  	s0 =	stileid.u32;
	[bflag:$0x2] =	sbarrier.arrive $0xFFFF  }
0x14f: {  	p0 =	sne.s32 s0, $0x0;
	s0 =	rddreg [dreg:$0x1]  }
0x150: {  	s0 =	sadd.s32 @!p0 $0x100000, s0  }
0x151: {  	[sflag:s0] =	ssyncadd.tile.s32 @!p0 $0x1;
	_ =	shalt  }
.Lfunc_end2:
_tile_overlayer_lowered:
.L_overlay_start_2:
0x152: {  	(tag) =	ssettag $0x2  }
0x153: {  	s0 =	rddreg [dreg:$0x0];
	s2 =	stileid.u32  }
0x154: {  	s1 =	rddreg [dreg:$0x1];
	p0 =	sne.s32 s2, $0x0  }
0x155: {  	s3 =	rddreg [dreg:$0x2];
	[bflag:$0x3] =	sbarrier.arrive $0xFFFF;
	s2 =	simm.s32 @!p0 $0x1C03  }
0x156: {  	[timem:s3], [sflag:s2] =	dma.local @!p0 [hbm:s0], s1  }
0x157: {  	s0 =	simm.s32 @!p0 $0x3  }
0x158: {  	_ =	swait.ge @!p0 [sflag:s0], s1  }
0x159: {  	s1 =	ssub.s32 @!p0 $0x0, s1;
	[sflag:s0] =	ssyncset.done @!p0 $0x0  }
0x15a: {  	[sflag:s0] =	ssyncadd.s32 @!p0 s1  }
0x15b: {  	[bflag:$0x3] =	sbarrier.arrive $0xFFFF  }
0x15c: {  	_ =	shalt  }

</sc_bundles>
